<compile_context>
chip_gen: v7x
topology: tpu7x:2x2x1
jax: 0.10.2.dev20260603
libtpu: 0.0.44.dev20260713+nightly
codegen_flags: <defaults>
</compile_context>

<pallas_src>
import functools

import jax
import jax.numpy as jnp
from jax import lax
from jax.experimental import pallas as pl
from jax.experimental.pallas import tpu as pltpu
from jax.experimental.pallas import tpu_sc as plsc

N = 16384
D = 768
C = 5
EPS = 1e-6
BLOCK = 4096
BLOCK2 = 8192

NC = 2
NS = 16
L = 16
NW = NC * NS
RPT = N // NW


def _sc_rank_weights(p):
    ws = []
    amax = []
    for j in range(C):
        r = jnp.zeros((L,), jnp.float32)
        for k in range(C):
            if k == j:
                continue
            beat = (p[k] >= p[j]) if k < j else (p[k] > p[j])
            r = r + jnp.where(beat, 1.0, 0.0)
        ws.append(jnp.where(r >= 0.5, 1.1 - 0.1 * r, 0.0))
        amax.append(jnp.where(r < 0.5, 1.0, 0.0))
    return ws, amax


@functools.partial(
    pl.kernel,
    mesh=plsc.VectorSubcoreMesh(core_axis_name="c", subcore_axis_name="s"),
    out_type=jax.ShapeDtypeStruct((4 * C, N), jnp.float32),
    scratch_types=[
        pltpu.VMEM((C, RPT), jnp.float32),
        pltpu.VMEM((C, RPT), jnp.float32),
        pltpu.VMEM((4 * C, RPT), jnp.float32),
    ],
)
def _sc_ranks(t1_hbm, t2_hbm, coef_hbm, t1v, t2v, cv):
    wid = lax.axis_index("s") * NC + lax.axis_index("c")
    base = wid * RPT
    pltpu.sync_copy(t1_hbm.at[:, pl.ds(base, RPT)], t1v)
    pltpu.sync_copy(t2_hbm.at[:, pl.ds(base, RPT)], t2v)

    def group(g, carry):
        sl = pl.ds(g * L, L)
        p1 = [t1v[j, sl] for j in range(C)]
        p2 = [t2v[j, sl] for j in range(C)]
        w1, a1 = _sc_rank_weights(p1)
        w2, a2 = _sc_rank_weights(p2)
        for j in range(C):
            cv[j, sl] = w1[j]
            cv[C + j, sl] = a1[j]
            cv[2 * C + j, sl] = w2[j]
            cv[3 * C + j, sl] = a2[j]
        return carry

    lax.fori_loop(0, RPT // L, group, 0)
    pltpu.sync_copy(cv, coef_hbm.at[:, pl.ds(base, RPT)])


def _tc_dist_body(stu_ref, cw_ref, d_ref, cvec_ref):
    i = pl.program_id(0)
    stu = stu_ref[...]
    cw = cw_ref[...]

    dots = lax.dot_general(cw, stu, (((1,), (1,)), ((), ())),
                           preferred_element_type=jnp.float32,
                           precision=lax.Precision.DEFAULT)
    tt = stu * (stu + 2.0 * EPS)
    ones = jnp.ones((1, D), jnp.float32)
    msum = lax.dot_general(ones, tt, (((1,), (1,)), ((), ())),
                           preferred_element_type=jnp.float32,
                           precision=lax.Precision.DEFAULT)

    @pl.when(i == 0)
    def _():
        cvec_ref[...] = (jnp.sum(cw * (cw - 2.0 * EPS), axis=1, keepdims=True)
                         + D * EPS * EPS)

    cvec = cvec_ref[...]
    d2 = msum - 2.0 * dots + cvec
    d_ref[...] = jnp.sqrt(jnp.maximum(d2, 0.0))


def _tc_loss_body(d_ref, coef_ref, out_ref):
    i = pl.program_id(0)
    d = d_ref[...]
    coef = coef_ref[...]
    dlo = d[0:C, :]
    dhi = d[C:2 * C, :]
    w1 = coef[0:C, :]
    a1 = coef[C:2 * C, :]
    w2 = coef[2 * C:3 * C, :]
    a2 = coef[3 * C:4 * C, :]

    da1 = jnp.sum(a2 * dhi, axis=0, keepdims=True)
    da2 = jnp.sum(a1 * dlo, axis=0, keepdims=True)
    term1 = jnp.sum(w1 * jnp.maximum(da1 - dlo + 1.0, 0.0))
    term2 = jnp.sum(w2 * jnp.maximum(da2 - dhi + 1.0, 0.0))
    part = (term1 + term2) * (1.0 / N)

    @pl.when(i == 0)
    def _():
        out_ref[0, 0] = 0.0

    out_ref[0, 0] += part


@jax.jit
def kernel(stu_emb, t1_prob, t2_prob, classifier_weight):
    t1t = t1_prob.T
    t2t = t2_prob.T
    coef = _sc_ranks(t1t, t2t)
    dist = pl.pallas_call(
        _tc_dist_body,
        grid=(N // BLOCK,),
        in_specs=[
            pl.BlockSpec((BLOCK, D), lambda i: (i, 0)),
            pl.BlockSpec((2 * C, D), lambda i: (0, 0)),
        ],
        out_specs=pl.BlockSpec((2 * C, BLOCK), lambda i: (0, i)),
        out_shape=jax.ShapeDtypeStruct((2 * C, N), jnp.float32),
        scratch_shapes=[pltpu.VMEM((2 * C, 1), jnp.float32)],
    )(stu_emb, classifier_weight)
    out = pl.pallas_call(
        _tc_loss_body,
        grid=(N // BLOCK2,),
        in_specs=[
            pl.BlockSpec((2 * C, BLOCK2), lambda i: (0, i)),
            pl.BlockSpec((4 * C, BLOCK2), lambda i: (0, i)),
        ],
        out_specs=pl.BlockSpec((1, 1), lambda i: (0, 0),
                               memory_space=pltpu.SMEM),
        out_shape=jax.ShapeDtypeStruct((1, 1), jnp.float32),
    )(dist, coef)
    return out[0, 0]

# --- scband reference (transcript-rebuilt; emitter-appended) ---
"""Pipeline reference for scband-relation-margin-loss-9938554323506 (READ-ONLY COPY).

The authoritative reference and input builder live on the scoring server;
editing this copy changes nothing except your own understanding.
"""

import jax, jax.numpy as jnp
import numpy as np


def setup_inputs(seed: int = 0) -> dict:
    key = jax.random.key(seed)
    k1, k2, k3, k4 = jax.random.split(key, 4)
    return {
        "stu_emb": jax.random.normal(k1, (16384, 768), dtype=jnp.float32),
        "t1_prob": jax.random.uniform(k2, (16384, 5), dtype=jnp.float32),
        "t2_prob": jax.random.uniform(k3, (16384, 5), dtype=jnp.float32),
        "classifier_weight": jax.random.normal(k4, (10, 768), dtype=jnp.float32),
    }


def _triplet_margin_l2(anchor, pos, neg, margin=1.0):
    # Matches torch.nn.TripletMarginLoss defaults: p=2, eps=1e-6, swap=False, mean reduction.
    eps = 1e-6
    d_ap = jnp.sqrt(jnp.sum((anchor - pos + eps) ** 2, axis=-1))
    d_an = jnp.sqrt(jnp.sum((anchor - neg + eps) ** 2, axis=-1))
    return jnp.mean(jnp.maximum(d_ap - d_an + margin, 0.0))


def reference(stu_emb, t1_prob, t2_prob, classifier_weight):
    margin = 1.0
    offset = t1_prob.shape[1]
    t1_max = jnp.argmax(t1_prob, axis=-1)
    t2_max = jnp.argmax(t2_prob, axis=-1)
    t1_num_label = t1_prob.shape[1]
    t2_num_label = t2_prob.shape[1]
    _, t1_ind = jax.lax.top_k(t1_prob, t1_num_label)
    _, t2_ind = jax.lax.top_k(t2_prob, t2_num_label)
    anchor_emb = stu_emb
    cw = jax.lax.stop_gradient(classifier_weight)
    weights = [0.1 * i + 0.2 for i in range(10)][::-1]
    loss = 0.0
    for i in range(1, t1_num_label):
        t1_min = t1_ind[:, i]
        pos_emb = jnp.take(cw, t2_max + offset, axis=0)
        neg_emb = jnp.take(cw, t1_min, axis=0)
        loss += weights[i] * _triplet_margin_l2(anchor_emb, pos_emb, neg_emb, margin)
    for i in range(1, t2_num_label):
        t2_min = t2_ind[:, i]
        pos_emb = jnp.take(cw, t1_max, axis=0)
        neg_emb = jnp.take(cw, t2_min + offset, axis=0)
        loss += weights[i] * _triplet_margin_l2(anchor_emb, pos_emb, neg_emb, margin)
    return loss

if __name__ == "__main__":
    import jax
    _d = setup_inputs()
    print(jax.jit(kernel)(*tuple(_d.values())))

</pallas_src>

<mosaic_0001>
#map = affine_map<(d0, d1) -> (0, 0)>
module attributes {stable_mosaic.version = 14 : i64} {
  func.func @_sc_ranks(%arg0: i32, %arg1: i32, %arg2: memref<5x16384xf32, #tpu.memory_space<hbm>>, %arg3: memref<5x16384xf32, #tpu.memory_space<hbm>>, %arg4: memref<20x16384xf32, #tpu.memory_space<hbm>>, %arg5: memref<5x512xf32, #tpu.memory_space<vmem>>, %arg6: memref<5x512xf32, #tpu.memory_space<vmem>>, %arg7: memref<20x512xf32, #tpu.memory_space<vmem>>) attributes {dimension_semantics = [#tpu.dimension_semantics<core_parallel>, #tpu.dimension_semantics<subcore_parallel>], iteration_bounds = array<i64: 2, 16>, scalar_prefetch = 0 : i64, scratch_operands = 3 : i64, tpu.core_type = #tpu.core_type<sc_vector_subcore>, window_params = [{transform_indices = #map}, {transform_indices = #map}, {transform_indices = #map}]} {
    %mul3A = arith.constant 2 : i32
    %mul3A_0 = arith.muli %arg1, %mul3A : i32
    %add3A = arith.addi %mul3A_0, %arg0 : i32
    %mul3A_1 = arith.constant 512 : i32
    %mul3A_2 = arith.muli %add3A, %mul3A_1 : i32
    "tpu.region"() ({
      %run_scoped3A = tpu.sem_alloc : memref<!tpu.dma_semaphore, #tpu.memory_space<semaphore_mem>>
      %dma_start3A = arith.constant 0 : i32
      %dma_start3A_8 = tpu.memref_slice %arg2[%dma_start3A, %mul3A_2] : memref<5x16384xf32, #tpu.memory_space<hbm>> -> memref<5x512xf32, #tpu.memory_space<hbm>>
      %dma_start3A_9 = arith.constant 0 : i32
      %dma_start3A_10 = tpu.memref_slice %arg2[%dma_start3A_9, %mul3A_2] : memref<5x16384xf32, #tpu.memory_space<hbm>> -> memref<5x512xf32, #tpu.memory_space<hbm>>
      tpu.enqueue_dma source(%dma_start3A_10 : memref<5x512xf32, #tpu.memory_space<hbm>>) target(%arg5 : memref<5x512xf32, #tpu.memory_space<vmem>>) target_semaphore(%run_scoped3A : memref<!tpu.dma_semaphore, #tpu.memory_space<semaphore_mem>>)
      %dma_wait3A = arith.constant 0 : i32
      %dma_wait3A_11 = tpu.memref_slice %arg2[%dma_wait3A, %mul3A_2] : memref<5x16384xf32, #tpu.memory_space<hbm>> -> memref<5x512xf32, #tpu.memory_space<hbm>>
      %dma_wait3A_12 = arith.constant 0 : i32
      %dma_wait3A_13 = tpu.memref_slice %arg2[%dma_wait3A_12, %mul3A_2] : memref<5x16384xf32, #tpu.memory_space<hbm>> -> memref<5x512xf32, #tpu.memory_space<hbm>>
      tpu.wait_dma2 semaphore(%run_scoped3A : memref<!tpu.dma_semaphore, #tpu.memory_space<semaphore_mem>>) src(%dma_wait3A_13 : memref<5x512xf32, #tpu.memory_space<hbm>>) dst(%arg5 : memref<5x512xf32, #tpu.memory_space<vmem>>)
      tpu.yield
    }) : () -> ()
    "tpu.region"() ({
      %run_scoped3A = tpu.sem_alloc : memref<!tpu.dma_semaphore, #tpu.memory_space<semaphore_mem>>
      %dma_start3A = arith.constant 0 : i32
      %dma_start3A_8 = tpu.memref_slice %arg3[%dma_start3A, %mul3A_2] : memref<5x16384xf32, #tpu.memory_space<hbm>> -> memref<5x512xf32, #tpu.memory_space<hbm>>
      %dma_start3A_9 = arith.constant 0 : i32
      %dma_start3A_10 = tpu.memref_slice %arg3[%dma_start3A_9, %mul3A_2] : memref<5x16384xf32, #tpu.memory_space<hbm>> -> memref<5x512xf32, #tpu.memory_space<hbm>>
      tpu.enqueue_dma source(%dma_start3A_10 : memref<5x512xf32, #tpu.memory_space<hbm>>) target(%arg6 : memref<5x512xf32, #tpu.memory_space<vmem>>) target_semaphore(%run_scoped3A : memref<!tpu.dma_semaphore, #tpu.memory_space<semaphore_mem>>)
      %dma_wait3A = arith.constant 0 : i32
      %dma_wait3A_11 = tpu.memref_slice %arg3[%dma_wait3A, %mul3A_2] : memref<5x16384xf32, #tpu.memory_space<hbm>> -> memref<5x512xf32, #tpu.memory_space<hbm>>
      %dma_wait3A_12 = arith.constant 0 : i32
      %dma_wait3A_13 = tpu.memref_slice %arg3[%dma_wait3A_12, %mul3A_2] : memref<5x16384xf32, #tpu.memory_space<hbm>> -> memref<5x512xf32, #tpu.memory_space<hbm>>
      tpu.wait_dma2 semaphore(%run_scoped3A : memref<!tpu.dma_semaphore, #tpu.memory_space<semaphore_mem>>) src(%dma_wait3A_13 : memref<5x512xf32, #tpu.memory_space<hbm>>) dst(%arg6 : memref<5x512xf32, #tpu.memory_space<vmem>>)
      tpu.yield
    }) : () -> ()
    %scan3A = arith.constant 0 : i32
    %scan3A_3 = arith.constant 0 : i32
    %scan3A_4 = arith.constant 32 : i32
    %scan3A_5 = arith.addi %scan3A_3, %scan3A_4 : i32
    %scan3A_6 = arith.constant 1 : i32
    scf.for %scan3A_8 = %scan3A_3 to %scan3A_5 step %scan3A_6  : i32 {
      %mul3A_9 = arith.constant 16 : i32
      %mul3A_10 = arith.muli %scan3A_8, %mul3A_9 : i32
      %get3A = arith.constant 0 : i32
      %get3A_11 = arith.index_cast %get3A : i32 to index
      %get3A_12 = arith.index_cast %mul3A_10 : i32 to index
      %get3A_13 = tpu.vector_load %arg5[%get3A_11, %get3A_12] {strides = array<i32>} : memref<5x512xf32, #tpu.memory_space<vmem>>, vector<1x16xf32>,
      %get3A_14 = vector.shape_cast %get3A_13 : vector<1x16xf32> to vector<16xf32>
      %get3A_15 = arith.constant 1 : i32
      %get3A_16 = arith.index_cast %get3A_15 : i32 to index
      %get3A_17 = arith.index_cast %mul3A_10 : i32 to index
      %get3A_18 = tpu.vector_load %arg5[%get3A_16, %get3A_17] {strides = array<i32>} : memref<5x512xf32, #tpu.memory_space<vmem>>, vector<1x16xf32>,
      %get3A_19 = vector.shape_cast %get3A_18 : vector<1x16xf32> to vector<16xf32>
      %get3A_20 = arith.constant 2 : i32
      %get3A_21 = arith.index_cast %get3A_20 : i32 to index
      %get3A_22 = arith.index_cast %mul3A_10 : i32 to index
      %get3A_23 = tpu.vector_load %arg5[%get3A_21, %get3A_22] {strides = array<i32>} : memref<5x512xf32, #tpu.memory_space<vmem>>, vector<1x16xf32>,
      %get3A_24 = vector.shape_cast %get3A_23 : vector<1x16xf32> to vector<16xf32>
      %get3A_25 = arith.constant 3 : i32
      %get3A_26 = arith.index_cast %get3A_25 : i32 to index
      %get3A_27 = arith.index_cast %mul3A_10 : i32 to index
      %get3A_28 = tpu.vector_load %arg5[%get3A_26, %get3A_27] {strides = array<i32>} : memref<5x512xf32, #tpu.memory_space<vmem>>, vector<1x16xf32>,
      %get3A_29 = vector.shape_cast %get3A_28 : vector<1x16xf32> to vector<16xf32>
      %get3A_30 = arith.constant 4 : i32
      %get3A_31 = arith.index_cast %get3A_30 : i32 to index
      %get3A_32 = arith.index_cast %mul3A_10 : i32 to index
      %get3A_33 = tpu.vector_load %arg5[%get3A_31, %get3A_32] {strides = array<i32>} : memref<5x512xf32, #tpu.memory_space<vmem>>, vector<1x16xf32>,
      %get3A_34 = vector.shape_cast %get3A_33 : vector<1x16xf32> to vector<16xf32>
      %get3A_35 = arith.constant 0 : i32
      %get3A_36 = arith.index_cast %get3A_35 : i32 to index
      %get3A_37 = arith.index_cast %mul3A_10 : i32 to index
      %get3A_38 = tpu.vector_load %arg6[%get3A_36, %get3A_37] {strides = array<i32>} : memref<5x512xf32, #tpu.memory_space<vmem>>, vector<1x16xf32>,
      %get3A_39 = vector.shape_cast %get3A_38 : vector<1x16xf32> to vector<16xf32>
      %get3A_40 = arith.constant 1 : i32
      %get3A_41 = arith.index_cast %get3A_40 : i32 to index
      %get3A_42 = arith.index_cast %mul3A_10 : i32 to index
      %get3A_43 = tpu.vector_load %arg6[%get3A_41, %get3A_42] {strides = array<i32>} : memref<5x512xf32, #tpu.memory_space<vmem>>, vector<1x16xf32>,
      %get3A_44 = vector.shape_cast %get3A_43 : vector<1x16xf32> to vector<16xf32>
      %get3A_45 = arith.constant 2 : i32
      %get3A_46 = arith.index_cast %get3A_45 : i32 to index
      %get3A_47 = arith.index_cast %mul3A_10 : i32 to index
      %get3A_48 = tpu.vector_load %arg6[%get3A_46, %get3A_47] {strides = array<i32>} : memref<5x512xf32, #tpu.memory_space<vmem>>, vector<1x16xf32>,
      %get3A_49 = vector.shape_cast %get3A_48 : vector<1x16xf32> to vector<16xf32>
      %get3A_50 = arith.constant 3 : i32
      %get3A_51 = arith.index_cast %get3A_50 : i32 to index
      %get3A_52 = arith.index_cast %mul3A_10 : i32 to index
      %get3A_53 = tpu.vector_load %arg6[%get3A_51, %get3A_52] {strides = array<i32>} : memref<5x512xf32, #tpu.memory_space<vmem>>, vector<1x16xf32>,
      %get3A_54 = vector.shape_cast %get3A_53 : vector<1x16xf32> to vector<16xf32>
      %get3A_55 = arith.constant 4 : i32
      %get3A_56 = arith.index_cast %get3A_55 : i32 to index
      %get3A_57 = arith.index_cast %mul3A_10 : i32 to index
      %get3A_58 = tpu.vector_load %arg6[%get3A_56, %get3A_57] {strides = array<i32>} : memref<5x512xf32, #tpu.memory_space<vmem>>, vector<1x16xf32>,
      %get3A_59 = vector.shape_cast %get3A_58 : vector<1x16xf32> to vector<16xf32>
      %broadcast_in_dim3A = arith.constant 0.000000e+00 : f32
      %broadcast_in_dim3A_60 = vector.broadcast %broadcast_in_dim3A : f32 to vector<16xf32>
      %gt3A = arith.cmpf ogt, %get3A_19, %get3A_14 : vector<16xf32>
      %jit3A = arith.constant 1.000000e+00 : f32
      %jit3A_61 = arith.constant 0.000000e+00 : f32
      %broadcast_in_dim3A_62 = vector.broadcast %jit3A : f32 to vector<16xf32>
      %broadcast_in_dim3A_63 = vector.broadcast %jit3A_61 : f32 to vector<16xf32>
      %select_n3A = arith.select %gt3A, %broadcast_in_dim3A_62, %broadcast_in_dim3A_63 : vector<16xi1>, vector<16xf32>
      %add3A_64 = arith.addf %broadcast_in_dim3A_60, %select_n3A : vector<16xf32>
      %gt3A_65 = arith.cmpf ogt, %get3A_24, %get3A_14 : vector<16xf32>
      %jit3A_66 = arith.constant 1.000000e+00 : f32
      %jit3A_67 = arith.constant 0.000000e+00 : f32
      %broadcast_in_dim3A_68 = vector.broadcast %jit3A_66 : f32 to vector<16xf32>
      %broadcast_in_dim3A_69 = vector.broadcast %jit3A_67 : f32 to vector<16xf32>
      %select_n3A_70 = arith.select %gt3A_65, %broadcast_in_dim3A_68, %broadcast_in_dim3A_69 : vector<16xi1>, vector<16xf32>
      %add3A_71 = arith.addf %add3A_64, %select_n3A_70 : vector<16xf32>
      %gt3A_72 = arith.cmpf ogt, %get3A_29, %get3A_14 : vector<16xf32>
      %jit3A_73 = arith.constant 1.000000e+00 : f32
      %jit3A_74 = arith.constant 0.000000e+00 : f32
      %broadcast_in_dim3A_75 = vector.broadcast %jit3A_73 : f32 to vector<16xf32>
      %broadcast_in_dim3A_76 = vector.broadcast %jit3A_74 : f32 to vector<16xf32>
      %select_n3A_77 = arith.select %gt3A_72, %broadcast_in_dim3A_75, %broadcast_in_dim3A_76 : vector<16xi1>, vector<16xf32>
      %add3A_78 = arith.addf %add3A_71, %select_n3A_77 : vector<16xf32>
      %gt3A_79 = arith.cmpf ogt, %get3A_34, %get3A_14 : vector<16xf32>
      %jit3A_80 = arith.constant 1.000000e+00 : f32
      %jit3A_81 = arith.constant 0.000000e+00 : f32
      %broadcast_in_dim3A_82 = vector.broadcast %jit3A_80 : f32 to vector<16xf32>
      %broadcast_in_dim3A_83 = vector.broadcast %jit3A_81 : f32 to vector<16xf32>
      %select_n3A_84 = arith.select %gt3A_79, %broadcast_in_dim3A_82, %broadcast_in_dim3A_83 : vector<16xi1>, vector<16xf32>
      %add3A_85 = arith.addf %add3A_78, %select_n3A_84 : vector<16xf32>
      %ge3A = arith.constant 5.000000e-01 : f32
      %ge3A_86 = vector.broadcast %ge3A : f32 to vector<16xf32>
      %ge3A_87 = arith.cmpf oge, %add3A_85, %ge3A_86 : vector<16xf32>
      %mul3A_88 = arith.constant 1.000000e-01 : f32
      %mul3A_89 = vector.broadcast %mul3A_88 : f32 to vector<16xf32>
      %mul3A_90 = arith.mulf %mul3A_89, %add3A_85 : vector<16xf32>
      %sub3A = arith.constant 1.100000e+00 : f32
      %sub3A_91 = vector.broadcast %sub3A : f32 to vector<16xf32>
      %sub3A_92 = arith.subf %sub3A_91, %mul3A_90 : vector<16xf32>
      %jit3A_93 = arith.constant 0.000000e+00 : f32
      %broadcast_in_dim3A_94 = vector.broadcast %jit3A_93 : f32 to vector<16xf32>
      %select_n3A_95 = arith.select %ge3A_87, %sub3A_92, %broadcast_in_dim3A_94 : vector<16xi1>, vector<16xf32>
      %lt3A = arith.constant 5.000000e-01 : f32
      %lt3A_96 = vector.broadcast %lt3A : f32 to vector<16xf32>
      %lt3A_97 = arith.cmpf olt, %add3A_85, %lt3A_96 : vector<16xf32>
      %jit3A_98 = arith.constant 1.000000e+00 : f32
      %jit3A_99 = arith.constant 0.000000e+00 : f32
      %broadcast_in_dim3A_100 = vector.broadcast %jit3A_98 : f32 to vector<16xf32>
      %broadcast_in_dim3A_101 = vector.broadcast %jit3A_99 : f32 to vector<16xf32>
      %select_n3A_102 = arith.select %lt3A_97, %broadcast_in_dim3A_100, %broadcast_in_dim3A_101 : vector<16xi1>, vector<16xf32>
      %broadcast_in_dim3A_103 = arith.constant 0.000000e+00 : f32
      %broadcast_in_dim3A_104 = vector.broadcast %broadcast_in_dim3A_103 : f32 to vector<16xf32>
      %ge3A_105 = arith.cmpf oge, %get3A_14, %get3A_19 : vector<16xf32>
      %jit3A_106 = arith.constant 1.000000e+00 : f32
      %jit3A_107 = arith.constant 0.000000e+00 : f32
      %broadcast_in_dim3A_108 = vector.broadcast %jit3A_106 : f32 to vector<16xf32>
      %broadcast_in_dim3A_109 = vector.broadcast %jit3A_107 : f32 to vector<16xf32>
      %select_n3A_110 = arith.select %ge3A_105, %broadcast_in_dim3A_108, %broadcast_in_dim3A_109 : vector<16xi1>, vector<16xf32>
      %add3A_111 = arith.addf %broadcast_in_dim3A_104, %select_n3A_110 : vector<16xf32>
      %gt3A_112 = arith.cmpf ogt, %get3A_24, %get3A_19 : vector<16xf32>
      %jit3A_113 = arith.constant 1.000000e+00 : f32
      %jit3A_114 = arith.constant 0.000000e+00 : f32
      %broadcast_in_dim3A_115 = vector.broadcast %jit3A_113 : f32 to vector<16xf32>
      %broadcast_in_dim3A_116 = vector.broadcast %jit3A_114 : f32 to vector<16xf32>
      %select_n3A_117 = arith.select %gt3A_112, %broadcast_in_dim3A_115, %broadcast_in_dim3A_116 : vector<16xi1>, vector<16xf32>
      %add3A_118 = arith.addf %add3A_111, %select_n3A_117 : vector<16xf32>
      %gt3A_119 = arith.cmpf ogt, %get3A_29, %get3A_19 : vector<16xf32>
      %jit3A_120 = arith.constant 1.000000e+00 : f32
      %jit3A_121 = arith.constant 0.000000e+00 : f32
      %broadcast_in_dim3A_122 = vector.broadcast %jit3A_120 : f32 to vector<16xf32>
      %broadcast_in_dim3A_123 = vector.broadcast %jit3A_121 : f32 to vector<16xf32>
      %select_n3A_124 = arith.select %gt3A_119, %broadcast_in_dim3A_122, %broadcast_in_dim3A_123 : vector<16xi1>, vector<16xf32>
      %add3A_125 = arith.addf %add3A_118, %select_n3A_124 : vector<16xf32>
      %gt3A_126 = arith.cmpf ogt, %get3A_34, %get3A_19 : vector<16xf32>
      %jit3A_127 = arith.constant 1.000000e+00 : f32
      %jit3A_128 = arith.constant 0.000000e+00 : f32
      %broadcast_in_dim3A_129 = vector.broadcast %jit3A_127 : f32 to vector<16xf32>
      %broadcast_in_dim3A_130 = vector.broadcast %jit3A_128 : f32 to vector<16xf32>
      %select_n3A_131 = arith.select %gt3A_126, %broadcast_in_dim3A_129, %broadcast_in_dim3A_130 : vector<16xi1>, vector<16xf32>
      %add3A_132 = arith.addf %add3A_125, %select_n3A_131 : vector<16xf32>
      %ge3A_133 = arith.constant 5.000000e-01 : f32
      %ge3A_134 = vector.broadcast %ge3A_133 : f32 to vector<16xf32>
      %ge3A_135 = arith.cmpf oge, %add3A_132, %ge3A_134 : vector<16xf32>
      %mul3A_136 = arith.constant 1.000000e-01 : f32
      %mul3A_137 = vector.broadcast %mul3A_136 : f32 to vector<16xf32>
      %mul3A_138 = arith.mulf %mul3A_137, %add3A_132 : vector<16xf32>
      %sub3A_139 = arith.constant 1.100000e+00 : f32
      %sub3A_140 = vector.broadcast %sub3A_139 : f32 to vector<16xf32>
      %sub3A_141 = arith.subf %sub3A_140, %mul3A_138 : vector<16xf32>
      %jit3A_142 = arith.constant 0.000000e+00 : f32
      %broadcast_in_dim3A_143 = vector.broadcast %jit3A_142 : f32 to vector<16xf32>
      %select_n3A_144 = arith.select %ge3A_135, %sub3A_141, %broadcast_in_dim3A_143 : vector<16xi1>, vector<16xf32>
      %lt3A_145 = arith.constant 5.000000e-01 : f32
      %lt3A_146 = vector.broadcast %lt3A_145 : f32 to vector<16xf32>
      %lt3A_147 = arith.cmpf olt, %add3A_132, %lt3A_146 : vector<16xf32>
      %jit3A_148 = arith.constant 1.000000e+00 : f32
      %jit3A_149 = arith.constant 0.000000e+00 : f32
      %broadcast_in_dim3A_150 = vector.broadcast %jit3A_148 : f32 to vector<16xf32>
      %broadcast_in_dim3A_151 = vector.broadcast %jit3A_149 : f32 to vector<16xf32>
      %select_n3A_152 = arith.select %lt3A_147, %broadcast_in_dim3A_150, %broadcast_in_dim3A_151 : vector<16xi1>, vector<16xf32>
      %broadcast_in_dim3A_153 = arith.constant 0.000000e+00 : f32
      %broadcast_in_dim3A_154 = vector.broadcast %broadcast_in_dim3A_153 : f32 to vector<16xf32>
      %ge3A_155 = arith.cmpf oge, %get3A_14, %get3A_24 : vector<16xf32>
      %jit3A_156 = arith.constant 1.000000e+00 : f32
      %jit3A_157 = arith.constant 0.000000e+00 : f32
      %broadcast_in_dim3A_158 = vector.broadcast %jit3A_156 : f32 to vector<16xf32>
      %broadcast_in_dim3A_159 = vector.broadcast %jit3A_157 : f32 to vector<16xf32>
      %select_n3A_160 = arith.select %ge3A_155, %broadcast_in_dim3A_158, %broadcast_in_dim3A_159 : vector<16xi1>, vector<16xf32>
      %add3A_161 = arith.addf %broadcast_in_dim3A_154, %select_n3A_160 : vector<16xf32>
      %ge3A_162 = arith.cmpf oge, %get3A_19, %get3A_24 : vector<16xf32>
      %jit3A_163 = arith.constant 1.000000e+00 : f32
      %jit3A_164 = arith.constant 0.000000e+00 : f32
      %broadcast_in_dim3A_165 = vector.broadcast %jit3A_163 : f32 to vector<16xf32>
      %broadcast_in_dim3A_166 = vector.broadcast %jit3A_164 : f32 to vector<16xf32>
      %select_n3A_167 = arith.select %ge3A_162, %broadcast_in_dim3A_165, %broadcast_in_dim3A_166 : vector<16xi1>, vector<16xf32>
      %add3A_168 = arith.addf %add3A_161, %select_n3A_167 : vector<16xf32>
      %gt3A_169 = arith.cmpf ogt, %get3A_29, %get3A_24 : vector<16xf32>
      %jit3A_170 = arith.constant 1.000000e+00 : f32
      %jit3A_171 = arith.constant 0.000000e+00 : f32
      %broadcast_in_dim3A_172 = vector.broadcast %jit3A_170 : f32 to vector<16xf32>
      %broadcast_in_dim3A_173 = vector.broadcast %jit3A_171 : f32 to vector<16xf32>
      %select_n3A_174 = arith.select %gt3A_169, %broadcast_in_dim3A_172, %broadcast_in_dim3A_173 : vector<16xi1>, vector<16xf32>
      %add3A_175 = arith.addf %add3A_168, %select_n3A_174 : vector<16xf32>
      %gt3A_176 = arith.cmpf ogt, %get3A_34, %get3A_24 : vector<16xf32>
      %jit3A_177 = arith.constant 1.000000e+00 : f32
      %jit3A_178 = arith.constant 0.000000e+00 : f32
      %broadcast_in_dim3A_179 = vector.broadcast %jit3A_177 : f32 to vector<16xf32>
      %broadcast_in_dim3A_180 = vector.broadcast %jit3A_178 : f32 to vector<16xf32>
      %select_n3A_181 = arith.select %gt3A_176, %broadcast_in_dim3A_179, %broadcast_in_dim3A_180 : vector<16xi1>, vector<16xf32>
      %add3A_182 = arith.addf %add3A_175, %select_n3A_181 : vector<16xf32>
      %ge3A_183 = arith.constant 5.000000e-01 : f32
      %ge3A_184 = vector.broadcast %ge3A_183 : f32 to vector<16xf32>
      %ge3A_185 = arith.cmpf oge, %add3A_182, %ge3A_184 : vector<16xf32>
      %mul3A_186 = arith.constant 1.000000e-01 : f32
      %mul3A_187 = vector.broadcast %mul3A_186 : f32 to vector<16xf32>
      %mul3A_188 = arith.mulf %mul3A_187, %add3A_182 : vector<16xf32>
      %sub3A_189 = arith.constant 1.100000e+00 : f32
      %sub3A_190 = vector.broadcast %sub3A_189 : f32 to vector<16xf32>
      %sub3A_191 = arith.subf %sub3A_190, %mul3A_188 : vector<16xf32>
      %jit3A_192 = arith.constant 0.000000e+00 : f32
      %broadcast_in_dim3A_193 = vector.broadcast %jit3A_192 : f32 to vector<16xf32>
      %select_n3A_194 = arith.select %ge3A_185, %sub3A_191, %broadcast_in_dim3A_193 : vector<16xi1>, vector<16xf32>
      %lt3A_195 = arith.constant 5.000000e-01 : f32
      %lt3A_196 = vector.broadcast %lt3A_195 : f32 to vector<16xf32>
      %lt3A_197 = arith.cmpf olt, %add3A_182, %lt3A_196 : vector<16xf32>
      %jit3A_198 = arith.constant 1.000000e+00 : f32
      %jit3A_199 = arith.constant 0.000000e+00 : f32
      %broadcast_in_dim3A_200 = vector.broadcast %jit3A_198 : f32 to vector<16xf32>
      %broadcast_in_dim3A_201 = vector.broadcast %jit3A_199 : f32 to vector<16xf32>
      %select_n3A_202 = arith.select %lt3A_197, %broadcast_in_dim3A_200, %broadcast_in_dim3A_201 : vector<16xi1>, vector<16xf32>
      %broadcast_in_dim3A_203 = arith.constant 0.000000e+00 : f32
      %broadcast_in_dim3A_204 = vector.broadcast %broadcast_in_dim3A_203 : f32 to vector<16xf32>
      %ge3A_205 = arith.cmpf oge, %get3A_14, %get3A_29 : vector<16xf32>
      %jit3A_206 = arith.constant 1.000000e+00 : f32
      %jit3A_207 = arith.constant 0.000000e+00 : f32
      %broadcast_in_dim3A_208 = vector.broadcast %jit3A_206 : f32 to vector<16xf32>
      %broadcast_in_dim3A_209 = vector.broadcast %jit3A_207 : f32 to vector<16xf32>
      %select_n3A_210 = arith.select %ge3A_205, %broadcast_in_dim3A_208, %broadcast_in_dim3A_209 : vector<16xi1>, vector<16xf32>
      %add3A_211 = arith.addf %broadcast_in_dim3A_204, %select_n3A_210 : vector<16xf32>
      %ge3A_212 = arith.cmpf oge, %get3A_19, %get3A_29 : vector<16xf32>
      %jit3A_213 = arith.constant 1.000000e+00 : f32
      %jit3A_214 = arith.constant 0.000000e+00 : f32
      %broadcast_in_dim3A_215 = vector.broadcast %jit3A_213 : f32 to vector<16xf32>
      %broadcast_in_dim3A_216 = vector.broadcast %jit3A_214 : f32 to vector<16xf32>
      %select_n3A_217 = arith.select %ge3A_212, %broadcast_in_dim3A_215, %broadcast_in_dim3A_216 : vector<16xi1>, vector<16xf32>
      %add3A_218 = arith.addf %add3A_211, %select_n3A_217 : vector<16xf32>
      %ge3A_219 = arith.cmpf oge, %get3A_24, %get3A_29 : vector<16xf32>
      %jit3A_220 = arith.constant 1.000000e+00 : f32
      %jit3A_221 = arith.constant 0.000000e+00 : f32
      %broadcast_in_dim3A_222 = vector.broadcast %jit3A_220 : f32 to vector<16xf32>
      %broadcast_in_dim3A_223 = vector.broadcast %jit3A_221 : f32 to vector<16xf32>
      %select_n3A_224 = arith.select %ge3A_219, %broadcast_in_dim3A_222, %broadcast_in_dim3A_223 : vector<16xi1>, vector<16xf32>
      %add3A_225 = arith.addf %add3A_218, %select_n3A_224 : vector<16xf32>
      %gt3A_226 = arith.cmpf ogt, %get3A_34, %get3A_29 : vector<16xf32>
      %jit3A_227 = arith.constant 1.000000e+00 : f32
      %jit3A_228 = arith.constant 0.000000e+00 : f32
      %broadcast_in_dim3A_229 = vector.broadcast %jit3A_227 : f32 to vector<16xf32>
      %broadcast_in_dim3A_230 = vector.broadcast %jit3A_228 : f32 to vector<16xf32>
      %select_n3A_231 = arith.select %gt3A_226, %broadcast_in_dim3A_229, %broadcast_in_dim3A_230 : vector<16xi1>, vector<16xf32>
      %add3A_232 = arith.addf %add3A_225, %select_n3A_231 : vector<16xf32>
      %ge3A_233 = arith.constant 5.000000e-01 : f32
      %ge3A_234 = vector.broadcast %ge3A_233 : f32 to vector<16xf32>
      %ge3A_235 = arith.cmpf oge, %add3A_232, %ge3A_234 : vector<16xf32>
      %mul3A_236 = arith.constant 1.000000e-01 : f32
      %mul3A_237 = vector.broadcast %mul3A_236 : f32 to vector<16xf32>
      %mul3A_238 = arith.mulf %mul3A_237, %add3A_232 : vector<16xf32>
      %sub3A_239 = arith.constant 1.100000e+00 : f32
      %sub3A_240 = vector.broadcast %sub3A_239 : f32 to vector<16xf32>
      %sub3A_241 = arith.subf %sub3A_240, %mul3A_238 : vector<16xf32>
      %jit3A_242 = arith.constant 0.000000e+00 : f32
      %broadcast_in_dim3A_243 = vector.broadcast %jit3A_242 : f32 to vector<16xf32>
      %select_n3A_244 = arith.select %ge3A_235, %sub3A_241, %broadcast_in_dim3A_243 : vector<16xi1>, vector<16xf32>
      %lt3A_245 = arith.constant 5.000000e-01 : f32
      %lt3A_246 = vector.broadcast %lt3A_245 : f32 to vector<16xf32>
      %lt3A_247 = arith.cmpf olt, %add3A_232, %lt3A_246 : vector<16xf32>
      %jit3A_248 = arith.constant 1.000000e+00 : f32
      %jit3A_249 = arith.constant 0.000000e+00 : f32
      %broadcast_in_dim3A_250 = vector.broadcast %jit3A_248 : f32 to vector<16xf32>
      %broadcast_in_dim3A_251 = vector.broadcast %jit3A_249 : f32 to vector<16xf32>
      %select_n3A_252 = arith.select %lt3A_247, %broadcast_in_dim3A_250, %broadcast_in_dim3A_251 : vector<16xi1>, vector<16xf32>
      %broadcast_in_dim3A_253 = arith.constant 0.000000e+00 : f32
      %broadcast_in_dim3A_254 = vector.broadcast %broadcast_in_dim3A_253 : f32 to vector<16xf32>
      %ge3A_255 = arith.cmpf oge, %get3A_14, %get3A_34 : vector<16xf32>
      %jit3A_256 = arith.constant 1.000000e+00 : f32
      %jit3A_257 = arith.constant 0.000000e+00 : f32
      %broadcast_in_dim3A_258 = vector.broadcast %jit3A_256 : f32 to vector<16xf32>
      %broadcast_in_dim3A_259 = vector.broadcast %jit3A_257 : f32 to vector<16xf32>
      %select_n3A_260 = arith.select %ge3A_255, %broadcast_in_dim3A_258, %broadcast_in_dim3A_259 : vector<16xi1>, vector<16xf32>
      %add3A_261 = arith.addf %broadcast_in_dim3A_254, %select_n3A_260 : vector<16xf32>
      %ge3A_262 = arith.cmpf oge, %get3A_19, %get3A_34 : vector<16xf32>
      %jit3A_263 = arith.constant 1.000000e+00 : f32
      %jit3A_264 = arith.constant 0.000000e+00 : f32
      %broadcast_in_dim3A_265 = vector.broadcast %jit3A_263 : f32 to vector<16xf32>
      %broadcast_in_dim3A_266 = vector.broadcast %jit3A_264 : f32 to vector<16xf32>
      %select_n3A_267 = arith.select %ge3A_262, %broadcast_in_dim3A_265, %broadcast_in_dim3A_266 : vector<16xi1>, vector<16xf32>
      %add3A_268 = arith.addf %add3A_261, %select_n3A_267 : vector<16xf32>
      %ge3A_269 = arith.cmpf oge, %get3A_24, %get3A_34 : vector<16xf32>
      %jit3A_270 = arith.constant 1.000000e+00 : f32
      %jit3A_271 = arith.constant 0.000000e+00 : f32
      %broadcast_in_dim3A_272 = vector.broadcast %jit3A_270 : f32 to vector<16xf32>
      %broadcast_in_dim3A_273 = vector.broadcast %jit3A_271 : f32 to vector<16xf32>
      %select_n3A_274 = arith.select %ge3A_269, %broadcast_in_dim3A_272, %broadcast_in_dim3A_273 : vector<16xi1>, vector<16xf32>
      %add3A_275 = arith.addf %add3A_268, %select_n3A_274 : vector<16xf32>
      %ge3A_276 = arith.cmpf oge, %get3A_29, %get3A_34 : vector<16xf32>
      %jit3A_277 = arith.constant 1.000000e+00 : f32
      %jit3A_278 = arith.constant 0.000000e+00 : f32
      %broadcast_in_dim3A_279 = vector.broadcast %jit3A_277 : f32 to vector<16xf32>
      %broadcast_in_dim3A_280 = vector.broadcast %jit3A_278 : f32 to vector<16xf32>
      %select_n3A_281 = arith.select %ge3A_276, %broadcast_in_dim3A_279, %broadcast_in_dim3A_280 : vector<16xi1>, vector<16xf32>
      %add3A_282 = arith.addf %add3A_275, %select_n3A_281 : vector<16xf32>
      %ge3A_283 = arith.constant 5.000000e-01 : f32
      %ge3A_284 = vector.broadcast %ge3A_283 : f32 to vector<16xf32>
      %ge3A_285 = arith.cmpf oge, %add3A_282, %ge3A_284 : vector<16xf32>
      %mul3A_286 = arith.constant 1.000000e-01 : f32
      %mul3A_287 = vector.broadcast %mul3A_286 : f32 to vector<16xf32>
      %mul3A_288 = arith.mulf %mul3A_287, %add3A_282 : vector<16xf32>
      %sub3A_289 = arith.constant 1.100000e+00 : f32
      %sub3A_290 = vector.broadcast %sub3A_289 : f32 to vector<16xf32>
      %sub3A_291 = arith.subf %sub3A_290, %mul3A_288 : vector<16xf32>
      %jit3A_292 = arith.constant 0.000000e+00 : f32
      %broadcast_in_dim3A_293 = vector.broadcast %jit3A_292 : f32 to vector<16xf32>
      %select_n3A_294 = arith.select %ge3A_285, %sub3A_291, %broadcast_in_dim3A_293 : vector<16xi1>, vector<16xf32>
      %lt3A_295 = arith.constant 5.000000e-01 : f32
      %lt3A_296 = vector.broadcast %lt3A_295 : f32 to vector<16xf32>
      %lt3A_297 = arith.cmpf olt, %add3A_282, %lt3A_296 : vector<16xf32>
      %jit3A_298 = arith.constant 1.000000e+00 : f32
      %jit3A_299 = arith.constant 0.000000e+00 : f32
      %broadcast_in_dim3A_300 = vector.broadcast %jit3A_298 : f32 to vector<16xf32>
      %broadcast_in_dim3A_301 = vector.broadcast %jit3A_299 : f32 to vector<16xf32>
      %select_n3A_302 = arith.select %lt3A_297, %broadcast_in_dim3A_300, %broadcast_in_dim3A_301 : vector<16xi1>, vector<16xf32>
      %broadcast_in_dim3A_303 = arith.constant 0.000000e+00 : f32
      %broadcast_in_dim3A_304 = vector.broadcast %broadcast_in_dim3A_303 : f32 to vector<16xf32>
      %gt3A_305 = arith.cmpf ogt, %get3A_44, %get3A_39 : vector<16xf32>
      %jit3A_306 = arith.constant 1.000000e+00 : f32
      %jit3A_307 = arith.constant 0.000000e+00 : f32
      %broadcast_in_dim3A_308 = vector.broadcast %jit3A_306 : f32 to vector<16xf32>
      %broadcast_in_dim3A_309 = vector.broadcast %jit3A_307 : f32 to vector<16xf32>
      %select_n3A_310 = arith.select %gt3A_305, %broadcast_in_dim3A_308, %broadcast_in_dim3A_309 : vector<16xi1>, vector<16xf32>
      %add3A_311 = arith.addf %broadcast_in_dim3A_304, %select_n3A_310 : vector<16xf32>
      %gt3A_312 = arith.cmpf ogt, %get3A_49, %get3A_39 : vector<16xf32>
      %jit3A_313 = arith.constant 1.000000e+00 : f32
      %jit3A_314 = arith.constant 0.000000e+00 : f32
      %broadcast_in_dim3A_315 = vector.broadcast %jit3A_313 : f32 to vector<16xf32>
      %broadcast_in_dim3A_316 = vector.broadcast %jit3A_314 : f32 to vector<16xf32>
      %select_n3A_317 = arith.select %gt3A_312, %broadcast_in_dim3A_315, %broadcast_in_dim3A_316 : vector<16xi1>, vector<16xf32>
      %add3A_318 = arith.addf %add3A_311, %select_n3A_317 : vector<16xf32>
      %gt3A_319 = arith.cmpf ogt, %get3A_54, %get3A_39 : vector<16xf32>
      %jit3A_320 = arith.constant 1.000000e+00 : f32
      %jit3A_321 = arith.constant 0.000000e+00 : f32
      %broadcast_in_dim3A_322 = vector.broadcast %jit3A_320 : f32 to vector<16xf32>
      %broadcast_in_dim3A_323 = vector.broadcast %jit3A_321 : f32 to vector<16xf32>
      %select_n3A_324 = arith.select %gt3A_319, %broadcast_in_dim3A_322, %broadcast_in_dim3A_323 : vector<16xi1>, vector<16xf32>
      %add3A_325 = arith.addf %add3A_318, %select_n3A_324 : vector<16xf32>
      %gt3A_326 = arith.cmpf ogt, %get3A_59, %get3A_39 : vector<16xf32>
      %jit3A_327 = arith.constant 1.000000e+00 : f32
      %jit3A_328 = arith.constant 0.000000e+00 : f32
      %broadcast_in_dim3A_329 = vector.broadcast %jit3A_327 : f32 to vector<16xf32>
      %broadcast_in_dim3A_330 = vector.broadcast %jit3A_328 : f32 to vector<16xf32>
      %select_n3A_331 = arith.select %gt3A_326, %broadcast_in_dim3A_329, %broadcast_in_dim3A_330 : vector<16xi1>, vector<16xf32>
      %add3A_332 = arith.addf %add3A_325, %select_n3A_331 : vector<16xf32>
      %ge3A_333 = arith.constant 5.000000e-01 : f32
      %ge3A_334 = vector.broadcast %ge3A_333 : f32 to vector<16xf32>
      %ge3A_335 = arith.cmpf oge, %add3A_332, %ge3A_334 : vector<16xf32>
      %mul3A_336 = arith.constant 1.000000e-01 : f32
      %mul3A_337 = vector.broadcast %mul3A_336 : f32 to vector<16xf32>
      %mul3A_338 = arith.mulf %mul3A_337, %add3A_332 : vector<16xf32>
      %sub3A_339 = arith.constant 1.100000e+00 : f32
      %sub3A_340 = vector.broadcast %sub3A_339 : f32 to vector<16xf32>
      %sub3A_341 = arith.subf %sub3A_340, %mul3A_338 : vector<16xf32>
      %jit3A_342 = arith.constant 0.000000e+00 : f32
      %broadcast_in_dim3A_343 = vector.broadcast %jit3A_342 : f32 to vector<16xf32>
      %select_n3A_344 = arith.select %ge3A_335, %sub3A_341, %broadcast_in_dim3A_343 : vector<16xi1>, vector<16xf32>
      %lt3A_345 = arith.constant 5.000000e-01 : f32
      %lt3A_346 = vector.broadcast %lt3A_345 : f32 to vector<16xf32>
      %lt3A_347 = arith.cmpf olt, %add3A_332, %lt3A_346 : vector<16xf32>
      %jit3A_348 = arith.constant 1.000000e+00 : f32
      %jit3A_349 = arith.constant 0.000000e+00 : f32
      %broadcast_in_dim3A_350 = vector.broadcast %jit3A_348 : f32 to vector<16xf32>
      %broadcast_in_dim3A_351 = vector.broadcast %jit3A_349 : f32 to vector<16xf32>
      %select_n3A_352 = arith.select %lt3A_347, %broadcast_in_dim3A_350, %broadcast_in_dim3A_351 : vector<16xi1>, vector<16xf32>
      %broadcast_in_dim3A_353 = arith.constant 0.000000e+00 : f32
      %broadcast_in_dim3A_354 = vector.broadcast %broadcast_in_dim3A_353 : f32 to vector<16xf32>
      %ge3A_355 = arith.cmpf oge, %get3A_39, %get3A_44 : vector<16xf32>
      %jit3A_356 = arith.constant 1.000000e+00 : f32
      %jit3A_357 = arith.constant 0.000000e+00 : f32
      %broadcast_in_dim3A_358 = vector.broadcast %jit3A_356 : f32 to vector<16xf32>
      %broadcast_in_dim3A_359 = vector.broadcast %jit3A_357 : f32 to vector<16xf32>
      %select_n3A_360 = arith.select %ge3A_355, %broadcast_in_dim3A_358, %broadcast_in_dim3A_359 : vector<16xi1>, vector<16xf32>
      %add3A_361 = arith.addf %broadcast_in_dim3A_354, %select_n3A_360 : vector<16xf32>
      %gt3A_362 = arith.cmpf ogt, %get3A_49, %get3A_44 : vector<16xf32>
      %jit3A_363 = arith.constant 1.000000e+00 : f32
      %jit3A_364 = arith.constant 0.000000e+00 : f32
      %broadcast_in_dim3A_365 = vector.broadcast %jit3A_363 : f32 to vector<16xf32>
      %broadcast_in_dim3A_366 = vector.broadcast %jit3A_364 : f32 to vector<16xf32>
      %select_n3A_367 = arith.select %gt3A_362, %broadcast_in_dim3A_365, %broadcast_in_dim3A_366 : vector<16xi1>, vector<16xf32>
      %add3A_368 = arith.addf %add3A_361, %select_n3A_367 : vector<16xf32>
      %gt3A_369 = arith.cmpf ogt, %get3A_54, %get3A_44 : vector<16xf32>
      %jit3A_370 = arith.constant 1.000000e+00 : f32
      %jit3A_371 = arith.constant 0.000000e+00 : f32
      %broadcast_in_dim3A_372 = vector.broadcast %jit3A_370 : f32 to vector<16xf32>
      %broadcast_in_dim3A_373 = vector.broadcast %jit3A_371 : f32 to vector<16xf32>
      %select_n3A_374 = arith.select %gt3A_369, %broadcast_in_dim3A_372, %broadcast_in_dim3A_373 : vector<16xi1>, vector<16xf32>
      %add3A_375 = arith.addf %add3A_368, %select_n3A_374 : vector<16xf32>
      %gt3A_376 = arith.cmpf ogt, %get3A_59, %get3A_44 : vector<16xf32>
      %jit3A_377 = arith.constant 1.000000e+00 : f32
      %jit3A_378 = arith.constant 0.000000e+00 : f32
      %broadcast_in_dim3A_379 = vector.broadcast %jit3A_377 : f32 to vector<16xf32>
      %broadcast_in_dim3A_380 = vector.broadcast %jit3A_378 : f32 to vector<16xf32>
      %select_n3A_381 = arith.select %gt3A_376, %broadcast_in_dim3A_379, %broadcast_in_dim3A_380 : vector<16xi1>, vector<16xf32>
      %add3A_382 = arith.addf %add3A_375, %select_n3A_381 : vector<16xf32>
      %ge3A_383 = arith.constant 5.000000e-01 : f32
      %ge3A_384 = vector.broadcast %ge3A_383 : f32 to vector<16xf32>
      %ge3A_385 = arith.cmpf oge, %add3A_382, %ge3A_384 : vector<16xf32>
      %mul3A_386 = arith.constant 1.000000e-01 : f32
      %mul3A_387 = vector.broadcast %mul3A_386 : f32 to vector<16xf32>
      %mul3A_388 = arith.mulf %mul3A_387, %add3A_382 : vector<16xf32>
      %sub3A_389 = arith.constant 1.100000e+00 : f32
      %sub3A_390 = vector.broadcast %sub3A_389 : f32 to vector<16xf32>
      %sub3A_391 = arith.subf %sub3A_390, %mul3A_388 : vector<16xf32>
      %jit3A_392 = arith.constant 0.000000e+00 : f32
      %broadcast_in_dim3A_393 = vector.broadcast %jit3A_392 : f32 to vector<16xf32>
      %select_n3A_394 = arith.select %ge3A_385, %sub3A_391, %broadcast_in_dim3A_393 : vector<16xi1>, vector<16xf32>
      %lt3A_395 = arith.constant 5.000000e-01 : f32
      %lt3A_396 = vector.broadcast %lt3A_395 : f32 to vector<16xf32>
      %lt3A_397 = arith.cmpf olt, %add3A_382, %lt3A_396 : vector<16xf32>
      %jit3A_398 = arith.constant 1.000000e+00 : f32
      %jit3A_399 = arith.constant 0.000000e+00 : f32
      %broadcast_in_dim3A_400 = vector.broadcast %jit3A_398 : f32 to vector<16xf32>
      %broadcast_in_dim3A_401 = vector.broadcast %jit3A_399 : f32 to vector<16xf32>
      %select_n3A_402 = arith.select %lt3A_397, %broadcast_in_dim3A_400, %broadcast_in_dim3A_401 : vector<16xi1>, vector<16xf32>
      %broadcast_in_dim3A_403 = arith.constant 0.000000e+00 : f32
      %broadcast_in_dim3A_404 = vector.broadcast %broadcast_in_dim3A_403 : f32 to vector<16xf32>
      %ge3A_405 = arith.cmpf oge, %get3A_39, %get3A_49 : vector<16xf32>
      %jit3A_406 = arith.constant 1.000000e+00 : f32
      %jit3A_407 = arith.constant 0.000000e+00 : f32
      %broadcast_in_dim3A_408 = vector.broadcast %jit3A_406 : f32 to vector<16xf32>
      %broadcast_in_dim3A_409 = vector.broadcast %jit3A_407 : f32 to vector<16xf32>
      %select_n3A_410 = arith.select %ge3A_405, %broadcast_in_dim3A_408, %broadcast_in_dim3A_409 : vector<16xi1>, vector<16xf32>
      %add3A_411 = arith.addf %broadcast_in_dim3A_404, %select_n3A_410 : vector<16xf32>
      %ge3A_412 = arith.cmpf oge, %get3A_44, %get3A_49 : vector<16xf32>
      %jit3A_413 = arith.constant 1.000000e+00 : f32
      %jit3A_414 = arith.constant 0.000000e+00 : f32
      %broadcast_in_dim3A_415 = vector.broadcast %jit3A_413 : f32 to vector<16xf32>
      %broadcast_in_dim3A_416 = vector.broadcast %jit3A_414 : f32 to vector<16xf32>
      %select_n3A_417 = arith.select %ge3A_412, %broadcast_in_dim3A_415, %broadcast_in_dim3A_416 : vector<16xi1>, vector<16xf32>
      %add3A_418 = arith.addf %add3A_411, %select_n3A_417 : vector<16xf32>
      %gt3A_419 = arith.cmpf ogt, %get3A_54, %get3A_49 : vector<16xf32>
      %jit3A_420 = arith.constant 1.000000e+00 : f32
      %jit3A_421 = arith.constant 0.000000e+00 : f32
      %broadcast_in_dim3A_422 = vector.broadcast %jit3A_420 : f32 to vector<16xf32>
      %broadcast_in_dim3A_423 = vector.broadcast %jit3A_421 : f32 to vector<16xf32>
      %select_n3A_424 = arith.select %gt3A_419, %broadcast_in_dim3A_422, %broadcast_in_dim3A_423 : vector<16xi1>, vector<16xf32>
      %add3A_425 = arith.addf %add3A_418, %select_n3A_424 : vector<16xf32>
      %gt3A_426 = arith.cmpf ogt, %get3A_59, %get3A_49 : vector<16xf32>
      %jit3A_427 = arith.constant 1.000000e+00 : f32
      %jit3A_428 = arith.constant 0.000000e+00 : f32
      %broadcast_in_dim3A_429 = vector.broadcast %jit3A_427 : f32 to vector<16xf32>
      %broadcast_in_dim3A_430 = vector.broadcast %jit3A_428 : f32 to vector<16xf32>
      %select_n3A_431 = arith.select %gt3A_426, %broadcast_in_dim3A_429, %broadcast_in_dim3A_430 : vector<16xi1>, vector<16xf32>
      %add3A_432 = arith.addf %add3A_425, %select_n3A_431 : vector<16xf32>
      %ge3A_433 = arith.constant 5.000000e-01 : f32
      %ge3A_434 = vector.broadcast %ge3A_433 : f32 to vector<16xf32>
      %ge3A_435 = arith.cmpf oge, %add3A_432, %ge3A_434 : vector<16xf32>
      %mul3A_436 = arith.constant 1.000000e-01 : f32
      %mul3A_437 = vector.broadcast %mul3A_436 : f32 to vector<16xf32>
      %mul3A_438 = arith.mulf %mul3A_437, %add3A_432 : vector<16xf32>
      %sub3A_439 = arith.constant 1.100000e+00 : f32
      %sub3A_440 = vector.broadcast %sub3A_439 : f32 to vector<16xf32>
      %sub3A_441 = arith.subf %sub3A_440, %mul3A_438 : vector<16xf32>
      %jit3A_442 = arith.constant 0.000000e+00 : f32
      %broadcast_in_dim3A_443 = vector.broadcast %jit3A_442 : f32 to vector<16xf32>
      %select_n3A_444 = arith.select %ge3A_435, %sub3A_441, %broadcast_in_dim3A_443 : vector<16xi1>, vector<16xf32>
      %lt3A_445 = arith.constant 5.000000e-01 : f32
      %lt3A_446 = vector.broadcast %lt3A_445 : f32 to vector<16xf32>
      %lt3A_447 = arith.cmpf olt, %add3A_432, %lt3A_446 : vector<16xf32>
      %jit3A_448 = arith.constant 1.000000e+00 : f32
      %jit3A_449 = arith.constant 0.000000e+00 : f32
      %broadcast_in_dim3A_450 = vector.broadcast %jit3A_448 : f32 to vector<16xf32>
      %broadcast_in_dim3A_451 = vector.broadcast %jit3A_449 : f32 to vector<16xf32>
      %select_n3A_452 = arith.select %lt3A_447, %broadcast_in_dim3A_450, %broadcast_in_dim3A_451 : vector<16xi1>, vector<16xf32>
      %broadcast_in_dim3A_453 = arith.constant 0.000000e+00 : f32
      %broadcast_in_dim3A_454 = vector.broadcast %broadcast_in_dim3A_453 : f32 to vector<16xf32>
      %ge3A_455 = arith.cmpf oge, %get3A_39, %get3A_54 : vector<16xf32>
      %jit3A_456 = arith.constant 1.000000e+00 : f32
      %jit3A_457 = arith.constant 0.000000e+00 : f32
      %broadcast_in_dim3A_458 = vector.broadcast %jit3A_456 : f32 to vector<16xf32>
      %broadcast_in_dim3A_459 = vector.broadcast %jit3A_457 : f32 to vector<16xf32>
      %select_n3A_460 = arith.select %ge3A_455, %broadcast_in_dim3A_458, %broadcast_in_dim3A_459 : vector<16xi1>, vector<16xf32>
      %add3A_461 = arith.addf %broadcast_in_dim3A_454, %select_n3A_460 : vector<16xf32>
      %ge3A_462 = arith.cmpf oge, %get3A_44, %get3A_54 : vector<16xf32>
      %jit3A_463 = arith.constant 1.000000e+00 : f32
      %jit3A_464 = arith.constant 0.000000e+00 : f32
      %broadcast_in_dim3A_465 = vector.broadcast %jit3A_463 : f32 to vector<16xf32>
      %broadcast_in_dim3A_466 = vector.broadcast %jit3A_464 : f32 to vector<16xf32>
      %select_n3A_467 = arith.select %ge3A_462, %broadcast_in_dim3A_465, %broadcast_in_dim3A_466 : vector<16xi1>, vector<16xf32>
      %add3A_468 = arith.addf %add3A_461, %select_n3A_467 : vector<16xf32>
      %ge3A_469 = arith.cmpf oge, %get3A_49, %get3A_54 : vector<16xf32>
      %jit3A_470 = arith.constant 1.000000e+00 : f32
      %jit3A_471 = arith.constant 0.000000e+00 : f32
      %broadcast_in_dim3A_472 = vector.broadcast %jit3A_470 : f32 to vector<16xf32>
      %broadcast_in_dim3A_473 = vector.broadcast %jit3A_471 : f32 to vector<16xf32>
      %select_n3A_474 = arith.select %ge3A_469, %broadcast_in_dim3A_472, %broadcast_in_dim3A_473 : vector<16xi1>, vector<16xf32>
      %add3A_475 = arith.addf %add3A_468, %select_n3A_474 : vector<16xf32>
      %gt3A_476 = arith.cmpf ogt, %get3A_59, %get3A_54 : vector<16xf32>
      %jit3A_477 = arith.constant 1.000000e+00 : f32
      %jit3A_478 = arith.constant 0.000000e+00 : f32
      %broadcast_in_dim3A_479 = vector.broadcast %jit3A_477 : f32 to vector<16xf32>
      %broadcast_in_dim3A_480 = vector.broadcast %jit3A_478 : f32 to vector<16xf32>
      %select_n3A_481 = arith.select %gt3A_476, %broadcast_in_dim3A_479, %broadcast_in_dim3A_480 : vector<16xi1>, vector<16xf32>
      %add3A_482 = arith.addf %add3A_475, %select_n3A_481 : vector<16xf32>
      %ge3A_483 = arith.constant 5.000000e-01 : f32
      %ge3A_484 = vector.broadcast %ge3A_483 : f32 to vector<16xf32>
      %ge3A_485 = arith.cmpf oge, %add3A_482, %ge3A_484 : vector<16xf32>
      %mul3A_486 = arith.constant 1.000000e-01 : f32
      %mul3A_487 = vector.broadcast %mul3A_486 : f32 to vector<16xf32>
      %mul3A_488 = arith.mulf %mul3A_487, %add3A_482 : vector<16xf32>
      %sub3A_489 = arith.constant 1.100000e+00 : f32
      %sub3A_490 = vector.broadcast %sub3A_489 : f32 to vector<16xf32>
      %sub3A_491 = arith.subf %sub3A_490, %mul3A_488 : vector<16xf32>
      %jit3A_492 = arith.constant 0.000000e+00 : f32
      %broadcast_in_dim3A_493 = vector.broadcast %jit3A_492 : f32 to vector<16xf32>
      %select_n3A_494 = arith.select %ge3A_485, %sub3A_491, %broadcast_in_dim3A_493 : vector<16xi1>, vector<16xf32>
      %lt3A_495 = arith.constant 5.000000e-01 : f32
      %lt3A_496 = vector.broadcast %lt3A_495 : f32 to vector<16xf32>
      %lt3A_497 = arith.cmpf olt, %add3A_482, %lt3A_496 : vector<16xf32>
      %jit3A_498 = arith.constant 1.000000e+00 : f32
      %jit3A_499 = arith.constant 0.000000e+00 : f32
      %broadcast_in_dim3A_500 = vector.broadcast %jit3A_498 : f32 to vector<16xf32>
      %broadcast_in_dim3A_501 = vector.broadcast %jit3A_499 : f32 to vector<16xf32>
      %select_n3A_502 = arith.select %lt3A_497, %broadcast_in_dim3A_500, %broadcast_in_dim3A_501 : vector<16xi1>, vector<16xf32>
      %broadcast_in_dim3A_503 = arith.constant 0.000000e+00 : f32
      %broadcast_in_dim3A_504 = vector.broadcast %broadcast_in_dim3A_503 : f32 to vector<16xf32>
      %ge3A_505 = arith.cmpf oge, %get3A_39, %get3A_59 : vector<16xf32>
      %jit3A_506 = arith.constant 1.000000e+00 : f32
      %jit3A_507 = arith.constant 0.000000e+00 : f32
      %broadcast_in_dim3A_508 = vector.broadcast %jit3A_506 : f32 to vector<16xf32>
      %broadcast_in_dim3A_509 = vector.broadcast %jit3A_507 : f32 to vector<16xf32>
      %select_n3A_510 = arith.select %ge3A_505, %broadcast_in_dim3A_508, %broadcast_in_dim3A_509 : vector<16xi1>, vector<16xf32>
      %add3A_511 = arith.addf %broadcast_in_dim3A_504, %select_n3A_510 : vector<16xf32>
      %ge3A_512 = arith.cmpf oge, %get3A_44, %get3A_59 : vector<16xf32>
      %jit3A_513 = arith.constant 1.000000e+00 : f32
      %jit3A_514 = arith.constant 0.000000e+00 : f32
      %broadcast_in_dim3A_515 = vector.broadcast %jit3A_513 : f32 to vector<16xf32>
      %broadcast_in_dim3A_516 = vector.broadcast %jit3A_514 : f32 to vector<16xf32>
      %select_n3A_517 = arith.select %ge3A_512, %broadcast_in_dim3A_515, %broadcast_in_dim3A_516 : vector<16xi1>, vector<16xf32>
      %add3A_518 = arith.addf %add3A_511, %select_n3A_517 : vector<16xf32>
      %ge3A_519 = arith.cmpf oge, %get3A_49, %get3A_59 : vector<16xf32>
      %jit3A_520 = arith.constant 1.000000e+00 : f32
      %jit3A_521 = arith.constant 0.000000e+00 : f32
      %broadcast_in_dim3A_522 = vector.broadcast %jit3A_520 : f32 to vector<16xf32>
      %broadcast_in_dim3A_523 = vector.broadcast %jit3A_521 : f32 to vector<16xf32>
      %select_n3A_524 = arith.select %ge3A_519, %broadcast_in_dim3A_522, %broadcast_in_dim3A_523 : vector<16xi1>, vector<16xf32>
      %add3A_525 = arith.addf %add3A_518, %select_n3A_524 : vector<16xf32>
      %ge3A_526 = arith.cmpf oge, %get3A_54, %get3A_59 : vector<16xf32>
      %jit3A_527 = arith.constant 1.000000e+00 : f32
      %jit3A_528 = arith.constant 0.000000e+00 : f32
      %broadcast_in_dim3A_529 = vector.broadcast %jit3A_527 : f32 to vector<16xf32>
      %broadcast_in_dim3A_530 = vector.broadcast %jit3A_528 : f32 to vector<16xf32>
      %select_n3A_531 = arith.select %ge3A_526, %broadcast_in_dim3A_529, %broadcast_in_dim3A_530 : vector<16xi1>, vector<16xf32>
      %add3A_532 = arith.addf %add3A_525, %select_n3A_531 : vector<16xf32>
      %ge3A_533 = arith.constant 5.000000e-01 : f32
      %ge3A_534 = vector.broadcast %ge3A_533 : f32 to vector<16xf32>
      %ge3A_535 = arith.cmpf oge, %add3A_532, %ge3A_534 : vector<16xf32>
      %mul3A_536 = arith.constant 1.000000e-01 : f32
      %mul3A_537 = vector.broadcast %mul3A_536 : f32 to vector<16xf32>
      %mul3A_538 = arith.mulf %mul3A_537, %add3A_532 : vector<16xf32>
      %sub3A_539 = arith.constant 1.100000e+00 : f32
      %sub3A_540 = vector.broadcast %sub3A_539 : f32 to vector<16xf32>
      %sub3A_541 = arith.subf %sub3A_540, %mul3A_538 : vector<16xf32>
      %jit3A_542 = arith.constant 0.000000e+00 : f32
      %broadcast_in_dim3A_543 = vector.broadcast %jit3A_542 : f32 to vector<16xf32>
      %select_n3A_544 = arith.select %ge3A_535, %sub3A_541, %broadcast_in_dim3A_543 : vector<16xi1>, vector<16xf32>
      %lt3A_545 = arith.constant 5.000000e-01 : f32
      %lt3A_546 = vector.broadcast %lt3A_545 : f32 to vector<16xf32>
      %lt3A_547 = arith.cmpf olt, %add3A_532, %lt3A_546 : vector<16xf32>
      %jit3A_548 = arith.constant 1.000000e+00 : f32
      %jit3A_549 = arith.constant 0.000000e+00 : f32
      %broadcast_in_dim3A_550 = vector.broadcast %jit3A_548 : f32 to vector<16xf32>
      %broadcast_in_dim3A_551 = vector.broadcast %jit3A_549 : f32 to vector<16xf32>
      %select_n3A_552 = arith.select %lt3A_547, %broadcast_in_dim3A_550, %broadcast_in_dim3A_551 : vector<16xi1>, vector<16xf32>
      %swap3A = arith.constant 0 : i32
      %swap3A_553 = arith.index_cast %swap3A : i32 to index
      %swap3A_554 = arith.index_cast %mul3A_10 : i32 to index
      %swap3A_555 = tpu.vector_load %arg7[%swap3A_553, %swap3A_554] {strides = array<i32>} : memref<20x512xf32, #tpu.memory_space<vmem>>, vector<1x16xf32>,
      %swap3A_556 = vector.shape_cast %swap3A_555 : vector<1x16xf32> to vector<16xf32>
      %swap3A_557 = vector.shape_cast %select_n3A_95 : vector<16xf32> to vector<1x16xf32>
      tpu.vector_store %arg7[%swap3A_553, %swap3A_554], %swap3A_557 {strides = array<i32>} : memref<20x512xf32, #tpu.memory_space<vmem>>, vector<1x16xf32>,
      %swap3A_558 = arith.constant 5 : i32
      %swap3A_559 = arith.index_cast %swap3A_558 : i32 to index
      %swap3A_560 = arith.index_cast %mul3A_10 : i32 to index
      %swap3A_561 = tpu.vector_load %arg7[%swap3A_559, %swap3A_560] {strides = array<i32>} : memref<20x512xf32, #tpu.memory_space<vmem>>, vector<1x16xf32>,
      %swap3A_562 = vector.shape_cast %swap3A_561 : vector<1x16xf32> to vector<16xf32>
      %swap3A_563 = vector.shape_cast %select_n3A_102 : vector<16xf32> to vector<1x16xf32>
      tpu.vector_store %arg7[%swap3A_559, %swap3A_560], %swap3A_563 {strides = array<i32>} : memref<20x512xf32, #tpu.memory_space<vmem>>, vector<1x16xf32>,
      %swap3A_564 = arith.constant 10 : i32
      %swap3A_565 = arith.index_cast %swap3A_564 : i32 to index
      %swap3A_566 = arith.index_cast %mul3A_10 : i32 to index
      %swap3A_567 = tpu.vector_load %arg7[%swap3A_565, %swap3A_566] {strides = array<i32>} : memref<20x512xf32, #tpu.memory_space<vmem>>, vector<1x16xf32>,
      %swap3A_568 = vector.shape_cast %swap3A_567 : vector<1x16xf32> to vector<16xf32>
      %swap3A_569 = vector.shape_cast %select_n3A_344 : vector<16xf32> to vector<1x16xf32>
      tpu.vector_store %arg7[%swap3A_565, %swap3A_566], %swap3A_569 {strides = array<i32>} : memref<20x512xf32, #tpu.memory_space<vmem>>, vector<1x16xf32>,
      %swap3A_570 = arith.constant 15 : i32
      %swap3A_571 = arith.index_cast %swap3A_570 : i32 to index
      %swap3A_572 = arith.index_cast %mul3A_10 : i32 to index
      %swap3A_573 = tpu.vector_load %arg7[%swap3A_571, %swap3A_572] {strides = array<i32>} : memref<20x512xf32, #tpu.memory_space<vmem>>, vector<1x16xf32>,
      %swap3A_574 = vector.shape_cast %swap3A_573 : vector<1x16xf32> to vector<16xf32>
      %swap3A_575 = vector.shape_cast %select_n3A_352 : vector<16xf32> to vector<1x16xf32>
      tpu.vector_store %arg7[%swap3A_571, %swap3A_572], %swap3A_575 {strides = array<i32>} : memref<20x512xf32, #tpu.memory_space<vmem>>, vector<1x16xf32>,
      %swap3A_576 = arith.constant 1 : i32
      %swap3A_577 = arith.index_cast %swap3A_576 : i32 to index
      %swap3A_578 = arith.index_cast %mul3A_10 : i32 to index
      %swap3A_579 = tpu.vector_load %arg7[%swap3A_577, %swap3A_578] {strides = array<i32>} : memref<20x512xf32, #tpu.memory_space<vmem>>, vector<1x16xf32>,
      %swap3A_580 = vector.shape_cast %swap3A_579 : vector<1x16xf32> to vector<16xf32>
      %swap3A_581 = vector.shape_cast %select_n3A_144 : vector<16xf32> to vector<1x16xf32>
      tpu.vector_store %arg7[%swap3A_577, %swap3A_578], %swap3A_581 {strides = array<i32>} : memref<20x512xf32, #tpu.memory_space<vmem>>, vector<1x16xf32>,
      %swap3A_582 = arith.constant 6 : i32
      %swap3A_583 = arith.index_cast %swap3A_582 : i32 to index
      %swap3A_584 = arith.index_cast %mul3A_10 : i32 to index
      %swap3A_585 = tpu.vector_load %arg7[%swap3A_583, %swap3A_584] {strides = array<i32>} : memref<20x512xf32, #tpu.memory_space<vmem>>, vector<1x16xf32>,
      %swap3A_586 = vector.shape_cast %swap3A_585 : vector<1x16xf32> to vector<16xf32>
      %swap3A_587 = vector.shape_cast %select_n3A_152 : vector<16xf32> to vector<1x16xf32>
      tpu.vector_store %arg7[%swap3A_583, %swap3A_584], %swap3A_587 {strides = array<i32>} : memref<20x512xf32, #tpu.memory_space<vmem>>, vector<1x16xf32>,
      %swap3A_588 = arith.constant 11 : i32
      %swap3A_589 = arith.index_cast %swap3A_588 : i32 to index
      %swap3A_590 = arith.index_cast %mul3A_10 : i32 to index
      %swap3A_591 = tpu.vector_load %arg7[%swap3A_589, %swap3A_590] {strides = array<i32>} : memref<20x512xf32, #tpu.memory_space<vmem>>, vector<1x16xf32>,
      %swap3A_592 = vector.shape_cast %swap3A_591 : vector<1x16xf32> to vector<16xf32>
      %swap3A_593 = vector.shape_cast %select_n3A_394 : vector<16xf32> to vector<1x16xf32>
      tpu.vector_store %arg7[%swap3A_589, %swap3A_590], %swap3A_593 {strides = array<i32>} : memref<20x512xf32, #tpu.memory_space<vmem>>, vector<1x16xf32>,
      %swap3A_594 = arith.constant 16 : i32
      %swap3A_595 = arith.index_cast %swap3A_594 : i32 to index
      %swap3A_596 = arith.index_cast %mul3A_10 : i32 to index
      %swap3A_597 = tpu.vector_load %arg7[%swap3A_595, %swap3A_596] {strides = array<i32>} : memref<20x512xf32, #tpu.memory_space<vmem>>, vector<1x16xf32>,
      %swap3A_598 = vector.shape_cast %swap3A_597 : vector<1x16xf32> to vector<16xf32>
      %swap3A_599 = vector.shape_cast %select_n3A_402 : vector<16xf32> to vector<1x16xf32>
      tpu.vector_store %arg7[%swap3A_595, %swap3A_596], %swap3A_599 {strides = array<i32>} : memref<20x512xf32, #tpu.memory_space<vmem>>, vector<1x16xf32>,
      %swap3A_600 = arith.constant 2 : i32
      %swap3A_601 = arith.index_cast %swap3A_600 : i32 to index
      %swap3A_602 = arith.index_cast %mul3A_10 : i32 to index
      %swap3A_603 = tpu.vector_load %arg7[%swap3A_601, %swap3A_602] {strides = array<i32>} : memref<20x512xf32, #tpu.memory_space<vmem>>, vector<1x16xf32>,
      %swap3A_604 = vector.shape_cast %swap3A_603 : vector<1x16xf32> to vector<16xf32>
      %swap3A_605 = vector.shape_cast %select_n3A_194 : vector<16xf32> to vector<1x16xf32>
      tpu.vector_store %arg7[%swap3A_601, %swap3A_602], %swap3A_605 {strides = array<i32>} : memref<20x512xf32, #tpu.memory_space<vmem>>, vector<1x16xf32>,
      %swap3A_606 = arith.constant 7 : i32
      %swap3A_607 = arith.index_cast %swap3A_606 : i32 to index
      %swap3A_608 = arith.index_cast %mul3A_10 : i32 to index
      %swap3A_609 = tpu.vector_load %arg7[%swap3A_607, %swap3A_608] {strides = array<i32>} : memref<20x512xf32, #tpu.memory_space<vmem>>, vector<1x16xf32>,
      %swap3A_610 = vector.shape_cast %swap3A_609 : vector<1x16xf32> to vector<16xf32>
      %swap3A_611 = vector.shape_cast %select_n3A_202 : vector<16xf32> to vector<1x16xf32>
      tpu.vector_store %arg7[%swap3A_607, %swap3A_608], %swap3A_611 {strides = array<i32>} : memref<20x512xf32, #tpu.memory_space<vmem>>, vector<1x16xf32>,
      %swap3A_612 = arith.constant 12 : i32
      %swap3A_613 = arith.index_cast %swap3A_612 : i32 to index
      %swap3A_614 = arith.index_cast %mul3A_10 : i32 to index
      %swap3A_615 = tpu.vector_load %arg7[%swap3A_613, %swap3A_614] {strides = array<i32>} : memref<20x512xf32, #tpu.memory_space<vmem>>, vector<1x16xf32>,
      %swap3A_616 = vector.shape_cast %swap3A_615 : vector<1x16xf32> to vector<16xf32>
      %swap3A_617 = vector.shape_cast %select_n3A_444 : vector<16xf32> to vector<1x16xf32>
      tpu.vector_store %arg7[%swap3A_613, %swap3A_614], %swap3A_617 {strides = array<i32>} : memref<20x512xf32, #tpu.memory_space<vmem>>, vector<1x16xf32>,
      %swap3A_618 = arith.constant 17 : i32
      %swap3A_619 = arith.index_cast %swap3A_618 : i32 to index
      %swap3A_620 = arith.index_cast %mul3A_10 : i32 to index
      %swap3A_621 = tpu.vector_load %arg7[%swap3A_619, %swap3A_620] {strides = array<i32>} : memref<20x512xf32, #tpu.memory_space<vmem>>, vector<1x16xf32>,
      %swap3A_622 = vector.shape_cast %swap3A_621 : vector<1x16xf32> to vector<16xf32>
      %swap3A_623 = vector.shape_cast %select_n3A_452 : vector<16xf32> to vector<1x16xf32>
      tpu.vector_store %arg7[%swap3A_619, %swap3A_620], %swap3A_623 {strides = array<i32>} : memref<20x512xf32, #tpu.memory_space<vmem>>, vector<1x16xf32>,
      %swap3A_624 = arith.constant 3 : i32
      %swap3A_625 = arith.index_cast %swap3A_624 : i32 to index
      %swap3A_626 = arith.index_cast %mul3A_10 : i32 to index
      %swap3A_627 = tpu.vector_load %arg7[%swap3A_625, %swap3A_626] {strides = array<i32>} : memref<20x512xf32, #tpu.memory_space<vmem>>, vector<1x16xf32>,
      %swap3A_628 = vector.shape_cast %swap3A_627 : vector<1x16xf32> to vector<16xf32>
      %swap3A_629 = vector.shape_cast %select_n3A_244 : vector<16xf32> to vector<1x16xf32>
      tpu.vector_store %arg7[%swap3A_625, %swap3A_626], %swap3A_629 {strides = array<i32>} : memref<20x512xf32, #tpu.memory_space<vmem>>, vector<1x16xf32>,
      %swap3A_630 = arith.constant 8 : i32
      %swap3A_631 = arith.index_cast %swap3A_630 : i32 to index
      %swap3A_632 = arith.index_cast %mul3A_10 : i32 to index
      %swap3A_633 = tpu.vector_load %arg7[%swap3A_631, %swap3A_632] {strides = array<i32>} : memref<20x512xf32, #tpu.memory_space<vmem>>, vector<1x16xf32>,
      %swap3A_634 = vector.shape_cast %swap3A_633 : vector<1x16xf32> to vector<16xf32>
      %swap3A_635 = vector.shape_cast %select_n3A_252 : vector<16xf32> to vector<1x16xf32>
      tpu.vector_store %arg7[%swap3A_631, %swap3A_632], %swap3A_635 {strides = array<i32>} : memref<20x512xf32, #tpu.memory_space<vmem>>, vector<1x16xf32>,
      %swap3A_636 = arith.constant 13 : i32
      %swap3A_637 = arith.index_cast %swap3A_636 : i32 to index
      %swap3A_638 = arith.index_cast %mul3A_10 : i32 to index
      %swap3A_639 = tpu.vector_load %arg7[%swap3A_637, %swap3A_638] {strides = array<i32>} : memref<20x512xf32, #tpu.memory_space<vmem>>, vector<1x16xf32>,
      %swap3A_640 = vector.shape_cast %swap3A_639 : vector<1x16xf32> to vector<16xf32>
      %swap3A_641 = vector.shape_cast %select_n3A_494 : vector<16xf32> to vector<1x16xf32>
      tpu.vector_store %arg7[%swap3A_637, %swap3A_638], %swap3A_641 {strides = array<i32>} : memref<20x512xf32, #tpu.memory_space<vmem>>, vector<1x16xf32>,
      %swap3A_642 = arith.constant 18 : i32
      %swap3A_643 = arith.index_cast %swap3A_642 : i32 to index
      %swap3A_644 = arith.index_cast %mul3A_10 : i32 to index
      %swap3A_645 = tpu.vector_load %arg7[%swap3A_643, %swap3A_644] {strides = array<i32>} : memref<20x512xf32, #tpu.memory_space<vmem>>, vector<1x16xf32>,
      %swap3A_646 = vector.shape_cast %swap3A_645 : vector<1x16xf32> to vector<16xf32>
      %swap3A_647 = vector.shape_cast %select_n3A_502 : vector<16xf32> to vector<1x16xf32>
      tpu.vector_store %arg7[%swap3A_643, %swap3A_644], %swap3A_647 {strides = array<i32>} : memref<20x512xf32, #tpu.memory_space<vmem>>, vector<1x16xf32>,
      %swap3A_648 = arith.constant 4 : i32
      %swap3A_649 = arith.index_cast %swap3A_648 : i32 to index
      %swap3A_650 = arith.index_cast %mul3A_10 : i32 to index
      %swap3A_651 = tpu.vector_load %arg7[%swap3A_649, %swap3A_650] {strides = array<i32>} : memref<20x512xf32, #tpu.memory_space<vmem>>, vector<1x16xf32>,
      %swap3A_652 = vector.shape_cast %swap3A_651 : vector<1x16xf32> to vector<16xf32>
      %swap3A_653 = vector.shape_cast %select_n3A_294 : vector<16xf32> to vector<1x16xf32>
      tpu.vector_store %arg7[%swap3A_649, %swap3A_650], %swap3A_653 {strides = array<i32>} : memref<20x512xf32, #tpu.memory_space<vmem>>, vector<1x16xf32>,
      %swap3A_654 = arith.constant 9 : i32
      %swap3A_655 = arith.index_cast %swap3A_654 : i32 to index
      %swap3A_656 = arith.index_cast %mul3A_10 : i32 to index
      %swap3A_657 = tpu.vector_load %arg7[%swap3A_655, %swap3A_656] {strides = array<i32>} : memref<20x512xf32, #tpu.memory_space<vmem>>, vector<1x16xf32>,
      %swap3A_658 = vector.shape_cast %swap3A_657 : vector<1x16xf32> to vector<16xf32>
      %swap3A_659 = vector.shape_cast %select_n3A_302 : vector<16xf32> to vector<1x16xf32>
      tpu.vector_store %arg7[%swap3A_655, %swap3A_656], %swap3A_659 {strides = array<i32>} : memref<20x512xf32, #tpu.memory_space<vmem>>, vector<1x16xf32>,
      %swap3A_660 = arith.constant 14 : i32
      %swap3A_661 = arith.index_cast %swap3A_660 : i32 to index
      %swap3A_662 = arith.index_cast %mul3A_10 : i32 to index
      %swap3A_663 = tpu.vector_load %arg7[%swap3A_661, %swap3A_662] {strides = array<i32>} : memref<20x512xf32, #tpu.memory_space<vmem>>, vector<1x16xf32>,
      %swap3A_664 = vector.shape_cast %swap3A_663 : vector<1x16xf32> to vector<16xf32>
      %swap3A_665 = vector.shape_cast %select_n3A_544 : vector<16xf32> to vector<1x16xf32>
      tpu.vector_store %arg7[%swap3A_661, %swap3A_662], %swap3A_665 {strides = array<i32>} : memref<20x512xf32, #tpu.memory_space<vmem>>, vector<1x16xf32>,
      %swap3A_666 = arith.constant 19 : i32
      %swap3A_667 = arith.index_cast %swap3A_666 : i32 to index
      %swap3A_668 = arith.index_cast %mul3A_10 : i32 to index
      %swap3A_669 = tpu.vector_load %arg7[%swap3A_667, %swap3A_668] {strides = array<i32>} : memref<20x512xf32, #tpu.memory_space<vmem>>, vector<1x16xf32>,
      %swap3A_670 = vector.shape_cast %swap3A_669 : vector<1x16xf32> to vector<16xf32>
      %swap3A_671 = vector.shape_cast %select_n3A_552 : vector<16xf32> to vector<1x16xf32>
      tpu.vector_store %arg7[%swap3A_667, %swap3A_668], %swap3A_671 {strides = array<i32>} : memref<20x512xf32, #tpu.memory_space<vmem>>, vector<1x16xf32>,
    }
    %scan3A_7 = arith.constant 32 : i32
    "tpu.region"() ({
      %run_scoped3A = tpu.sem_alloc : memref<!tpu.dma_semaphore, #tpu.memory_space<semaphore_mem>>
      %dma_start3A = arith.constant 0 : i32
      %dma_start3A_8 = tpu.memref_slice %arg4[%dma_start3A, %mul3A_2] : memref<20x16384xf32, #tpu.memory_space<hbm>> -> memref<20x512xf32, #tpu.memory_space<hbm>>
      %dma_start3A_9 = arith.constant 0 : i32
      %dma_start3A_10 = tpu.memref_slice %arg4[%dma_start3A_9, %mul3A_2] : memref<20x16384xf32, #tpu.memory_space<hbm>> -> memref<20x512xf32, #tpu.memory_space<hbm>>
      tpu.enqueue_dma source(%arg7 : memref<20x512xf32, #tpu.memory_space<vmem>>) target(%dma_start3A_10 : memref<20x512xf32, #tpu.memory_space<hbm>>) target_semaphore(%run_scoped3A : memref<!tpu.dma_semaphore, #tpu.memory_space<semaphore_mem>>)
      %dma_wait3A = arith.constant 0 : i32
      %dma_wait3A_11 = tpu.memref_slice %arg4[%dma_wait3A, %mul3A_2] : memref<20x16384xf32, #tpu.memory_space<hbm>> -> memref<20x512xf32, #tpu.memory_space<hbm>>
      %dma_wait3A_12 = arith.constant 0 : i32
      %dma_wait3A_13 = tpu.memref_slice %arg4[%dma_wait3A_12, %mul3A_2] : memref<20x16384xf32, #tpu.memory_space<hbm>> -> memref<20x512xf32, #tpu.memory_space<hbm>>
      tpu.wait_dma2 semaphore(%run_scoped3A : memref<!tpu.dma_semaphore, #tpu.memory_space<semaphore_mem>>) src(%arg7 : memref<20x512xf32, #tpu.memory_space<vmem>>) dst(%dma_wait3A_13 : memref<20x512xf32, #tpu.memory_space<hbm>>)
      tpu.yield
    }) : () -> ()
    return
  }
}

module attributes {stable_mosaic.version = 14 : i64} {
  func.func @_tc_loss_body(%arg0: i32, %arg1: memref<10x8192xf32, #tpu.memory_space<vmem>>, %arg2: memref<20x8192xf32, #tpu.memory_space<vmem>>, %arg3: memref<1x1xf32, #tpu.memory_space<smem>>) attributes {dimension_semantics = [#tpu.dimension_semantics<arbitrary>], iteration_bounds = array<i64: 2>, scalar_prefetch = 0 : i64, scratch_operands = 0 : i64, tpu.core_type = #tpu.core_type<tc>, window_params = [{transform_indices = @transform_0, window_bounds = array<i64: 10, 8192>}, {transform_indices = @transform_1, window_bounds = array<i64: 20, 8192>}, {transform_indices = @transform_2, window_bounds = array<i64: 1, 1>}]} {
    %get3A = arith.constant 0 : index
    %get3A_0 = arith.constant 0 : index
    %get3A_1 = vector.load %arg1[%get3A, %get3A_0] : memref<10x8192xf32, #tpu.memory_space<vmem>>, vector<10x8192xf32>
    %get3A_2 = arith.constant 0 : index
    %get3A_3 = arith.constant 0 : index
    %get3A_4 = vector.load %arg2[%get3A_2, %get3A_3] : memref<20x8192xf32, #tpu.memory_space<vmem>>, vector<20x8192xf32>
    %slice3A = vector.extract_strided_slice %get3A_1 {offsets = [0, 0], sizes = [5, 8192], strides = [1, 1]} : vector<10x8192xf32> to vector<5x8192xf32>
    %slice3A_5 = vector.extract_strided_slice %get3A_1 {offsets = [5, 0], sizes = [5, 8192], strides = [1, 1]} : vector<10x8192xf32> to vector<5x8192xf32>
    %slice3A_6 = vector.extract_strided_slice %get3A_4 {offsets = [0, 0], sizes = [5, 8192], strides = [1, 1]} : vector<20x8192xf32> to vector<5x8192xf32>
    %slice3A_7 = vector.extract_strided_slice %get3A_4 {offsets = [5, 0], sizes = [5, 8192], strides = [1, 1]} : vector<20x8192xf32> to vector<5x8192xf32>
    %slice3A_8 = vector.extract_strided_slice %get3A_4 {offsets = [10, 0], sizes = [5, 8192], strides = [1, 1]} : vector<20x8192xf32> to vector<5x8192xf32>
    %slice3A_9 = vector.extract_strided_slice %get3A_4 {offsets = [15, 0], sizes = [5, 8192], strides = [1, 1]} : vector<20x8192xf32> to vector<5x8192xf32>
    %mul3A = arith.mulf %slice3A_9, %slice3A_5 : vector<5x8192xf32>
    %reduce_sum3A = arith.constant dense<0.000000e+00> : vector<8192xf32>
    %reduce_sum3A_10 = vector.multi_reduction <add>, %mul3A, %reduce_sum3A [0] : vector<5x8192xf32> to vector<8192xf32>
    %broadcast_in_dim3A = vector.shape_cast %reduce_sum3A_10 : vector<8192xf32> to vector<1x8192xf32>
    %mul3A_11 = arith.mulf %slice3A_7, %slice3A : vector<5x8192xf32>
    %reduce_sum3A_12 = arith.constant dense<0.000000e+00> : vector<8192xf32>
    %reduce_sum3A_13 = vector.multi_reduction <add>, %mul3A_11, %reduce_sum3A_12 [0] : vector<5x8192xf32> to vector<8192xf32>
    %broadcast_in_dim3A_14 = vector.shape_cast %reduce_sum3A_13 : vector<8192xf32> to vector<1x8192xf32>
    %sub3A = vector.broadcast %broadcast_in_dim3A : vector<1x8192xf32> to vector<5x8192xf32>
    %sub3A_15 = arith.subf %sub3A, %slice3A : vector<5x8192xf32>
    %add3A = arith.constant 1.000000e+00 : f32
    %add3A_16 = vector.broadcast %add3A : f32 to vector<5x8192xf32>
    %add3A_17 = arith.addf %sub3A_15, %add3A_16 : vector<5x8192xf32>
    %max3A = arith.constant 0.000000e+00 : f32
    %max3A_18 = vector.broadcast %max3A : f32 to vector<5x8192xf32>
    %max3A_19 = arith.maximumf %add3A_17, %max3A_18 : vector<5x8192xf32>
    %mul3A_20 = arith.mulf %slice3A_6, %max3A_19 : vector<5x8192xf32>
    %reduce_sum3A_21 = vector.shape_cast %mul3A_20 : vector<5x8192xf32> to vector<1x5x8192xf32>
    %reduce_sum3A_22 = arith.constant dense<0.000000e+00> : vector<1xf32>
    %reduce_sum3A_23 = vector.multi_reduction <add>, %reduce_sum3A_21, %reduce_sum3A_22 [1, 2] : vector<1x5x8192xf32> to vector<1xf32>
    %reduce_sum3A_24 = vector.shape_cast %reduce_sum3A_23 : vector<1xf32> to vector<1x1x1xf32>
    %reduce_sum3A_25 = vector.extract %reduce_sum3A_24[0, 0, 0] : f32 from vector<1x1x1xf32>
    %sub3A_26 = vector.broadcast %broadcast_in_dim3A_14 : vector<1x8192xf32> to vector<5x8192xf32>
    %sub3A_27 = arith.subf %sub3A_26, %slice3A_5 : vector<5x8192xf32>
    %add3A_28 = arith.constant 1.000000e+00 : f32
    %add3A_29 = vector.broadcast %add3A_28 : f32 to vector<5x8192xf32>
    %add3A_30 = arith.addf %sub3A_27, %add3A_29 : vector<5x8192xf32>
    %max3A_31 = arith.constant 0.000000e+00 : f32
    %max3A_32 = vector.broadcast %max3A_31 : f32 to vector<5x8192xf32>
    %max3A_33 = arith.maximumf %add3A_30, %max3A_32 : vector<5x8192xf32>
    %mul3A_34 = arith.mulf %slice3A_8, %max3A_33 : vector<5x8192xf32>
    %reduce_sum3A_35 = vector.shape_cast %mul3A_34 : vector<5x8192xf32> to vector<1x5x8192xf32>
    %reduce_sum3A_36 = arith.constant dense<0.000000e+00> : vector<1xf32>
    %reduce_sum3A_37 = vector.multi_reduction <add>, %reduce_sum3A_35, %reduce_sum3A_36 [1, 2] : vector<1x5x8192xf32> to vector<1xf32>
    %reduce_sum3A_38 = vector.shape_cast %reduce_sum3A_37 : vector<1xf32> to vector<1x1x1xf32>
    %reduce_sum3A_39 = vector.extract %reduce_sum3A_38[0, 0, 0] : f32 from vector<1x1x1xf32>
    %add3A_40 = arith.addf %reduce_sum3A_25, %reduce_sum3A_39 : f32
    %mul3A_41 = arith.constant 6.10351563E-5 : f32
    %mul3A_42 = arith.mulf %add3A_40, %mul3A_41 : f32
    %eq3A = arith.constant 0 : i32
    %eq3A_43 = arith.cmpi eq, %arg0, %eq3A : i32
    %convert_element_type3A = arith.extui %eq3A_43 : i1 to i32
    %cond3A = arith.constant 0 : i32
    %cond3A_44 = arith.cmpi ne, %convert_element_type3A, %cond3A : i32
    scf.if %cond3A_44 {
      %swap3A_51 = arith.constant 0.000000e+00 : f32
      %swap3A_52 = arith.constant 0 : index
      %swap3A_53 = arith.constant 0 : index
      %swap3A_54 = memref.load %arg3[%swap3A_52, %swap3A_53] : memref<1x1xf32, #tpu.memory_space<smem>>
      memref.store %swap3A_51, %arg3[%swap3A_52, %swap3A_53] : memref<1x1xf32, #tpu.memory_space<smem>>
    } else {
    }
    %get3A_45 = arith.constant 0 : index
    %get3A_46 = arith.constant 0 : index
    %get3A_47 = memref.load %arg3[%get3A_45, %get3A_46] : memref<1x1xf32, #tpu.memory_space<smem>>
    %add3A_48 = arith.addf %get3A_47, %mul3A_42 : f32
    %swap3A = arith.constant 0 : index
    %swap3A_49 = arith.constant 0 : index
    %swap3A_50 = memref.load %arg3[%swap3A, %swap3A_49] : memref<1x1xf32, #tpu.memory_space<smem>>
    memref.store %add3A_48, %arg3[%swap3A, %swap3A_49] : memref<1x1xf32, #tpu.memory_space<smem>>
    return
  }
  func.func @transform_0(%arg0: i32) -> (i32, i32) {
    %c0_i32 = arith.constant 0 : i32
    %c0_i32_0 = arith.constant 0 : i32
    return %c0_i32, %arg0 : i32, i32
  }
  func.func @transform_1(%arg0: i32) -> (i32, i32) {
    %c0_i32 = arith.constant 0 : i32
    %c0_i32_0 = arith.constant 0 : i32
    return %c0_i32, %arg0 : i32, i32
  }
  func.func @transform_2(%arg0: i32) -> (i32, i32) {
    %c0_i32 = arith.constant 0 : i32
    %c0_i32_0 = arith.constant 0 : i32
    %c0_i32_1 = arith.constant 0 : i32
    return %c0_i32, %c0_i32_0 : i32, i32
  }
}

module attributes {stable_mosaic.version = 14 : i64} {
  func.func @_tc_dist_body(%arg0: i32, %arg1: memref<4096x768xf32, #tpu.memory_space<vmem>>, %arg2: memref<10x768xf32, #tpu.memory_space<vmem>>, %arg3: memref<10x4096xf32, #tpu.memory_space<vmem>>, %arg4: memref<10x1xf32, #tpu.memory_space<vmem>>) attributes {dimension_semantics = [#tpu.dimension_semantics<arbitrary>], iteration_bounds = array<i64: 4>, scalar_prefetch = 0 : i64, scratch_operands = 1 : i64, tpu.core_type = #tpu.core_type<tc>, window_params = [{transform_indices = @transform_0, window_bounds = array<i64: 4096, 768>}, {pipeline_mode = #tpu.pipeline_mode<synchronous>, transform_indices = @transform_1, window_bounds = array<i64: 10, 768>}, {transform_indices = @transform_2, window_bounds = array<i64: 10, 4096>}]} {
    %get3A = arith.constant 0 : index
    %get3A_0 = arith.constant 0 : index
    %get3A_1 = vector.load %arg1[%get3A, %get3A_0] : memref<4096x768xf32, #tpu.memory_space<vmem>>, vector<4096x768xf32>
    %get3A_2 = arith.constant 0 : index
    %get3A_3 = arith.constant 0 : index
    %get3A_4 = vector.load %arg2[%get3A_2, %get3A_3] : memref<10x768xf32, #tpu.memory_space<vmem>>, vector<10x768xf32>
    %dot_general3A = arith.constant dense<0.000000e+00> : vector<10x4096xf32>
    %dot_general3A_5 = tpu.matmul %get3A_4, %get3A_1, %dot_general3A {dimension_numbers = #tpu.dot_dimension_numbers<[1], [1], [0], [0], [0, 0, 1, 0], [], []>, transpose_lhs_hint = false} : vector<10x768xf32>, vector<4096x768xf32>, vector<10x4096xf32> -> vector<10x4096xf32>
    %add3A = arith.constant 2.000000e-06 : f32
    %add3A_6 = vector.broadcast %add3A : f32 to vector<4096x768xf32>
    %add3A_7 = arith.addf %get3A_1, %add3A_6 : vector<4096x768xf32>
    %mul3A = arith.mulf %get3A_1, %add3A_7 : vector<4096x768xf32>
    %broadcast_in_dim3A = arith.constant 1.000000e+00 : f32
    %broadcast_in_dim3A_8 = vector.broadcast %broadcast_in_dim3A : f32 to vector<1x768xf32>
    %dot_general3A_9 = arith.constant dense<0.000000e+00> : vector<1x4096xf32>
    %dot_general3A_10 = tpu.matmul %broadcast_in_dim3A_8, %mul3A, %dot_general3A_9 {dimension_numbers = #tpu.dot_dimension_numbers<[1], [1], [0], [0], [0, 0, 1, 0], [], []>, transpose_lhs_hint = false} : vector<1x768xf32>, vector<4096x768xf32>, vector<1x4096xf32> -> vector<1x4096xf32>
    %eq3A = arith.constant 0 : i32
    %eq3A_11 = arith.cmpi eq, %arg0, %eq3A : i32
    %convert_element_type3A = arith.extui %eq3A_11 : i1 to i32
    %cond3A = arith.constant 0 : i32
    %cond3A_12 = arith.cmpi ne, %convert_element_type3A, %cond3A : i32
    scf.if %cond3A_12 {
      %sub3A_26 = arith.constant 2.000000e-06 : f32
      %sub3A_27 = vector.broadcast %sub3A_26 : f32 to vector<10x768xf32>
      %sub3A_28 = arith.subf %get3A_4, %sub3A_27 : vector<10x768xf32>
      %mul3A_29 = arith.mulf %get3A_4, %sub3A_28 : vector<10x768xf32>
      %reduce_sum3A = arith.constant dense<0.000000e+00> : vector<10xf32>
      %reduce_sum3A_30 = vector.multi_reduction <add>, %mul3A_29, %reduce_sum3A [1] : vector<10x768xf32> to vector<10xf32>
      %broadcast_in_dim3A_31 = vector.shape_cast %reduce_sum3A_30 : vector<10xf32> to vector<10x1xf32>
      %add3A_32 = arith.constant 7.680000e-10 : f32
      %add3A_33 = vector.broadcast %add3A_32 : f32 to vector<10x1xf32>
      %add3A_34 = arith.addf %broadcast_in_dim3A_31, %add3A_33 : vector<10x1xf32>
      %swap3A_35 = arith.constant 0 : index
      %swap3A_36 = arith.constant 0 : index
      %swap3A_37 = vector.load %arg4[%swap3A_35, %swap3A_36] : memref<10x1xf32, #tpu.memory_space<vmem>>, vector<10x1xf32>
      tpu.vector_store %arg4[%swap3A_35, %swap3A_36], %add3A_34 {strides = array<i32>} : memref<10x1xf32, #tpu.memory_space<vmem>>, vector<10x1xf32>,
    } else {
    }
    %get3A_13 = arith.constant 0 : index
    %get3A_14 = arith.constant 0 : index
    %get3A_15 = vector.load %arg4[%get3A_13, %get3A_14] : memref<10x1xf32, #tpu.memory_space<vmem>>, vector<10x1xf32>
    %mul3A_16 = arith.constant 2.000000e+00 : f32
    %mul3A_17 = vector.broadcast %mul3A_16 : f32 to vector<10x4096xf32>
    %mul3A_18 = arith.mulf %mul3A_17, %dot_general3A_5 : vector<10x4096xf32>
    %sub3A = vector.broadcast %dot_general3A_10 : vector<1x4096xf32> to vector<10x4096xf32>
    %sub3A_19 = arith.subf %sub3A, %mul3A_18 : vector<10x4096xf32>
    %add3A_20 = vector.broadcast %get3A_15 : vector<10x1xf32> to vector<10x4096xf32>
    %add3A_21 = arith.addf %sub3A_19, %add3A_20 : vector<10x4096xf32>
    %max3A = arith.constant 0.000000e+00 : f32
    %max3A_22 = vector.broadcast %max3A : f32 to vector<10x4096xf32>
    %max3A_23 = arith.maximumf %add3A_21, %max3A_22 : vector<10x4096xf32>
    %sqrt3A = math.sqrt %max3A_23 : vector<10x4096xf32>
    %swap3A = arith.constant 0 : index
    %swap3A_24 = arith.constant 0 : index
    %swap3A_25 = vector.load %arg3[%swap3A, %swap3A_24] : memref<10x4096xf32, #tpu.memory_space<vmem>>, vector<10x4096xf32>
    tpu.vector_store %arg3[%swap3A, %swap3A_24], %sqrt3A {strides = array<i32>} : memref<10x4096xf32, #tpu.memory_space<vmem>>, vector<10x4096xf32>,
    return
  }
  func.func @transform_0(%arg0: i32) -> (i32, i32) {
    %c0_i32 = arith.constant 0 : i32
    %c0_i32_0 = arith.constant 0 : i32
    return %arg0, %c0_i32 : i32, i32
  }
  func.func @transform_1(%arg0: i32) -> (i32, i32) {
    %c0_i32 = arith.constant 0 : i32
    %c0_i32_0 = arith.constant 0 : i32
    %c0_i32_1 = arith.constant 0 : i32
    return %c0_i32, %c0_i32_0 : i32, i32
  }
  func.func @transform_2(%arg0: i32) -> (i32, i32) {
    %c0_i32 = arith.constant 0 : i32
    %c0_i32_0 = arith.constant 0 : i32
    return %c0_i32, %arg0 : i32, i32
  }
}

</mosaic_0001>

<sc_bundles>
// kernel: kernel.5.cloned.1.call-start
scs
__scs_entry_jumppad:
0x0: {  	(pc) =	sbr.rel $0x88, $3  }
0x1: {  	(tag) =	ssettag $0x0;
	lr =	simm.s32 $0x1  }
0x2: {  	[smem:$0x3F9D] =	sst lr;
	_ =	strace $0xD0000000  }
0x3: {  	_ = 	snop  }
0x4: {  	_ = 	snop  }
0x5: {  	_ = 	snop  }
0x6: {  	_ = 	snop  }
0x7: {  	_ = 	snop  }
__scs_overlays_trampoline_lowered:
0x8: {  	[smem:$0x3FAC] =	sst s0  }
0x9: {  	[smem:$0x3FAD] =	sst s1  }
0xa: {  	[smem:$0x3FAE] =	sst s2  }
0xb: {  	[smem:$0x3FAF] =	sst s3  }
0xc: {  	[smem:$0x3FB0] =	sst s4  }
0xd: {  	[smem:$0x3FB1] =	sst s5  }
0xe: {  	[smem:$0x3FB2] =	sst s6  }
0xf: {  	[smem:$0x3FB3] =	sst s7  }
0x10: {  	[smem:$0x3FB4] =	sst s8  }
0x11: {  	[smem:$0x3FB5] =	sst s9;
	s0 =	simm.s32 @!p0 $0x0  }
0x12: {  	s1 =	sld [smem:$0x3F9B];
	s0 =	simm.s32 @p0 $0x1  }
0x13: {  	[smem:$0x3FB6] =	sst s0;
	s0 =	simm.s32 @!p1 $0x0  }
0x14: {  	s2 =	sld [smem:$0x3F9A];
	s0 =	simm.s32 @p1 $0x1  }
0x15: {  	[smem:$0x3FB7] =	sst s0;
	s0 =	simm.s32 @!p2 $0x0  }
0x16: {  	s3 =	sld [smem:$0x3FDB];
	s0 =	simm.s32 @p2 $0x1  }
0x17: {  	s4 =	simm.s32 $0x1BF5;
	[smem:$0x3FB9] =	sst s0  }
0x18: {  	s0 =	sld [smem:$0x3F9C];
	_ =	swait.ge [sflag:s4], $0x0  }
0x19: {  	s7 =	sld [smem:$0x3F9D]  }
0x1a: {  	s8 =	sadd.s32 $0xFFFFE003, lr  }
0x1b: {  	s9 =	sadd.s32 $0xFFFFFEF7, lr;
	s5 =	simm.s32 $0xFFFFFFFF;
	p2 =	slt.u32 s8, $0xFFFFF086  }
0x1c: {  	p1 =	slt.u32 s9, $0xF7A;
	s5 =	simm.s32 @!p2 $0x0  }
0x1d: {  	s5 =	simm.s32 @p1 $0x1;
	p0 =	seq.s32 s7, s2  }
0x1e: {  	s7 =	smul.u32 @!p0 $0xF7A, s2;
	p2 =	seq.s32 @!p0 s5, $0x0  }
0x1f: {  	s9 =	smul.u32 $0xF7A, s1;
	s8 =	simm.s32 @!p0 $0x1BF5;
	p2 =	por !p2, p0  }
0x20: {  	[sflag:s8] =	ssyncset.s32 @!p0 $0xFFFFF086;
	s6 =	sadd.s32 @!p0 s3, s7;
	s7 =	simm.s32 @!p0 $0x108  }
0x21: {  	s3 =	sadd.s32 s3, s9;
	s6 =	sadd.s32 @!p0 $0x88, s6;
	s7 =	simm.s32 @p2 $0x1082  }
0x22: {  	[simem:s7], [sflag:s8] =	dma.local @!p0 [hbm:s6], $0xF7A  }
0x23: {  	s9 =	sor.u32 $0xD0000000, s2;
	s6 =	simm.s32 $0x108;
	_ =	swait.ge @!p0 [sflag:s8], $0x0  }
0x24: {  	s3 =	sadd.s32 $0x88, s3;
	s6 =	simm.s32 @!p1 $0x1082;
	[sflag:s4] =	ssyncset.s32 $0xFFFFF086  }
0x25: {  	[simem:s6], [sflag:s4] =	dma.local [hbm:s3], $0xF7A  }
0x26: {  	[smem:$0x3F9D] =	sst s1;
	(tag) =	ssettag s2;
	_ =	strace s9  }
0x27: {  	s1 =	sld [smem:$0x3FAD]  }
0x28: {  	s2 =	sld [smem:$0x3FAE]  }
0x29: {  	s4 =	sld [smem:$0x3FB0]  }
0x2a: {  	p0 =	seq.s32 s5, $0x0;
	s5 =	sld [smem:$0x3FB1]  }
0x2b: {  	s6 =	sld [smem:$0x3FB2]  }
0x2c: {  	s7 =	sld [smem:$0x3FB3]  }
0x2d: {  	s3 =	simm.s32 $0x108;
	s8 =	sld [smem:$0x3FB4]  }
0x2e: {  	s3 =	simm.s32 @!p0 $0x1082;
	s9 =	sld [smem:$0x3FB5]  }
0x2f: {  	lr =	sadd.s32 s0, s3;
	s0 =	sld [smem:$0x3FAC]  }
0x30: {  	s3 =	sld [smem:$0x3FAF]  }
0x31: {  	[smem:$0x3FB8] =	sst s10  }
0x32: {  	s10 =	sld [smem:$0x3FB6];
	_ =	sdelay $0x3  }
0x33: {  	p0 =	seq.s32 s10, $0x1;
	s10 =	sld [smem:$0x3FB8];
	_ =	sdelay $0x3  }
0x34: {  	[smem:$0x3FB8] =	sst s10  }
0x35: {  	s10 =	sld [smem:$0x3FB7];
	_ =	sdelay $0x3  }
0x36: {  	p1 =	seq.s32 s10, $0x1;
	s10 =	sld [smem:$0x3FB8];
	_ =	sdelay $0x3  }
0x37: {  	[smem:$0x3FB8] =	sst s10  }
0x38: {  	s10 =	sld [smem:$0x3FB9]  }
0x39: {  	_ = 	snop;
	(pc) =	sbr.ind lr, $3  }
0x3a: {  	_ = 	snop  }
0x3b: {  	_ = 	snop  }
0x3c: {  	p2 =	seq.s32 s10, $0x1;
	s10 =	sld [smem:$0x3FB8]  }
0x3d: {  	_ =	shalt  }
0x3e: {  	_ =	shalt  }
0x3f: {  	_ =	shalt  }
0x40: {  	_ =	shalt  }
0x41: {  	_ =	shalt  }
0x42: {  	_ =	shalt  }
0x43: {  	_ =	shalt  }
0x44: {  	_ =	shalt  }
0x45: {  	_ =	shalt  }
0x46: {  	_ =	shalt  }
0x47: {  	_ =	shalt  }
0x48: {  	_ =	shalt  }
0x49: {  	_ =	shalt  }
0x4a: {  	_ =	shalt  }
0x4b: {  	_ =	shalt  }
0x4c: {  	_ =	shalt  }
0x4d: {  	_ =	shalt  }
0x4e: {  	_ =	shalt  }
0x4f: {  	_ =	shalt  }
0x50: {  	_ =	shalt  }
0x51: {  	_ =	shalt  }
0x52: {  	_ =	shalt  }
0x53: {  	_ =	shalt  }
0x54: {  	_ =	shalt  }
0x55: {  	_ =	shalt  }
0x56: {  	_ =	shalt  }
0x57: {  	_ =	shalt  }
0x58: {  	_ =	shalt  }
0x59: {  	_ =	shalt  }
0x5a: {  	_ =	shalt  }
0x5b: {  	_ =	shalt  }
0x5c: {  	_ =	shalt  }
0x5d: {  	_ =	shalt  }
0x5e: {  	_ =	shalt  }
0x5f: {  	_ =	shalt  }
0x60: {  	_ =	shalt  }
0x61: {  	_ =	shalt  }
0x62: {  	_ =	shalt  }
0x63: {  	_ =	shalt  }
0x64: {  	_ =	shalt  }
0x65: {  	_ =	shalt  }
0x66: {  	_ =	shalt  }
0x67: {  	_ =	shalt  }
0x68: {  	_ =	shalt  }
0x69: {  	_ =	shalt  }
0x6a: {  	_ =	shalt  }
0x6b: {  	_ =	shalt  }
0x6c: {  	_ =	shalt  }
0x6d: {  	_ =	shalt  }
0x6e: {  	_ =	shalt  }
0x6f: {  	_ =	shalt  }
0x70: {  	_ =	shalt  }
0x71: {  	_ =	shalt  }
0x72: {  	_ =	shalt  }
0x73: {  	_ =	shalt  }
0x74: {  	_ =	shalt  }
0x75: {  	_ =	shalt  }
0x76: {  	_ =	shalt  }
0x77: {  	_ =	shalt  }
0x78: {  	_ =	shalt  }
0x79: {  	_ =	shalt  }
0x7a: {  	_ =	shalt  }
0x7b: {  	_ =	shalt  }
0x7c: {  	_ =	shalt  }
0x7d: {  	_ =	shalt  }
0x7e: {  	_ =	shalt  }
0x7f: {  	_ =	shalt  }
0x80: {  	_ =	shalt  }
0x81: {  	_ =	shalt  }
0x82: {  	_ =	shalt  }
0x83: {  	_ =	shalt  }
0x84: {  	_ =	shalt  }
0x85: {  	_ =	shalt  }
0x86: {  	_ =	shalt  }
0x87: {  	_ =	shalt  }
.Lfunc_end0:
.L_simem_size_0:
called_computation_lowered:
.L_overlay_start_0:
0x88: {  	s2 =	sld [smem:$0x3FD9]  }
0x89: {  	s3 =	sld [smem:$0x3FFE];
	_ =	sdelay $0x1  }
0x8a: {  	s1 =	srdreg.scid  }
0x8b: {  	s0 =	sand.u32 $0x1, s1  }
0x8c: {  	s17 =	sshll.u32 s0, $0xA;
	s2 =	sadd.s32 s3, s2  }
0x8d: {  	s2 =	sadd.s32 s2, s17  }
0x8e: {  	[smem:$0x3FC4] =	sst s2  }
0x8f: {  	_ = 	snop  }
0x90: {  	s2 =	sld [smem:$0x3FC8]  }
0x91: {  	s18 =	sld [smem:$0x3FC7];
	(tm) =	ssettm $0x1  }
0x92: {  	s4 =	sld [smem:$0x3FFB];
	_ =	sdelay $0x3  }
0x93: {  	_ =	strace s4  }
0x94: {  	s4 =	sld [smem:$0x3FFC];
	_ =	sdelay $0x3  }
0x95: {  	_ =	strace s4  }
0x96: {  	s4 =	sld [smem:$0x3FFD];
	_ =	sdelay $0x3  }
0x97: {  	_ =	strace s4  }
0x98: {  	_ =	strace $0x8FFFFFFF  }
0x99: {  	s19 =	sld [smem:$0x3FDB];
	_ =	sdelay $0x1  }
0x9a: {  	s5 =	simm.s32 $_scs_section_size  }
0x9b: {  	s6 =	simm.s32 $_size__tile_overlayer_lowered;
	s7 =	simm.s32 $_tile_overlayer_lowered  }
0x9c: {  	s22 =	simm.s32 $0x1BFF;
	s21 =	sshll.u32 s7, $0x1;
	s4 =	sadd.s32 s5, s19  }
0x9d: {  	s8 =	simm.s32 $0x0;
	s20 =	sshll.u32 s6, $0x1;
	s6 =	sadd.s32 s21, s4  }
0x9e: {  	[timem:s8], [sflag:s22] =	dma.local [hbm:s6], s20  }
0x9f: {  	_ =	swait.ge [sflag:s22], s20  }
0xa0: {  	s5 =	ssub.s32 $0x0, s20;
	[sflag:s22] =	ssyncset.done $0x0  }
0xa1: {  	[sflag:s22] =	ssyncadd.s32 s5;
	_ =	sdelay $0x1  }
0xa2: {  	s23 =	simm.s32 $0x1B8B  }
0xa3: {  	_ =	swait.ge [sflag:s23], $0x1  }
0xa4: {  	[sflag:s23] =	ssyncset.done $0x0  }
0xa5: {  	s25 =	simm.s32 $0x1B8E;
	s24 =	sld [smem:$0x3FFE];
	[sflag:s23] =	ssyncadd.s32 $0xFFFFFFFF  }
0xa6: {  	s26 =	simm.s32 $execute0_lowered;
	[smem:$0x3FD2] =	sst s25  }
0xa7: {  	s6 =	sshll.u32 s26, $0x1;
	_ =	strace $0x80000046;
	[dreg:$0x1] =	wrdreg $0xFFFFFFFF  }
0xa8: {  	s28 =	simm.s32 $_size_execute0_lowered;
	s4 =	sadd.s32 s4, s6;
	[dreg:$0x0] =	wrdreg $0x0  }
0xa9: {  	s6 =	sshll.u32 s28, $0x1;
	[dreg:$0x2] =	wrdreg s4  }
0xaa: {  	[dreg:$0x3] =	wrdreg s6  }
0xab: {  	[dreg:$0x4] =	wrdreg $0xC0  }
0xac: {  	_ =	task [dreg:s8], $0x5FFFF  }
0xad: {  	[dreg:$0x1] =	wrdreg $0xFFFFFFFF  }
0xae: {  	[dreg:$0x0] =	wrdreg $0x60  }
0xaf: {  	[dreg:$0x2] =	wrdreg s2  }
0xb0: {  	[dreg:$0x3] =	wrdreg s18  }
0xb1: {  	[dreg:$0x4] =	wrdreg s24  }
0xb2: {  	[dreg:$0x5] =	wrdreg $0x9  }
0xb3: {  	_ =	task.clear_ibuf [dreg:s8], $0x6FFFF;
	_ =	strace $0x90000046  }
0xb4: {  	s29 =	simm.s32 $0x9;
	_ =	strace $0x80000048  }
0xb5: {  	_ =	swait.ge [sflag:s29], $0x1  }
0xb6: {  	[sflag:s29] =	ssyncadd.s32 $0xFFFFFFFF  }
0xb7: {  	_ =	strace $0x90000048  }
0xb8: {  	_ =	sfence  }
0xb9: {  	s30 =	sld [smem:$0x0];
	_ =	sdelay $0x2  }
0xba: {  	s31 =	sshll.u32 s1, $0xD;
	s1 =	sshrl.u32 s1, $0x2  }
0xbb: {  	s3 =	sand.u32 $0x4000, s31;
	s1 =	sadd.s32 s1, s30  }
0xbc: {  	s0 =	sor.u32 s3, s0;
	s1 =	sshll.u32 s1, $0x11  }
0xbd: {  	s0 =	sor.u32 s1, s0  }
0xbe: {  	s0 =	sadd.s32 $0x8F2B, s0  }
0xbf: {  	[sflag:s0] =	ssyncadd.remote.s32 $0x1  }
0xc0: {  	_ =	sfence.sel $0xFFFF  }
0xc1: {  	[dreg:$0x0] =	wrdreg $0xFFFFFFFF;
	(pc) =	sbr.abs _section_cstart, $3  }
0xc2: {  	[dreg:$0x1] =	wrdreg $0xFFFFFFFF  }
0xc3: {  	_ =	task.clear_ibuf [dreg:s8], $0x2FFFF;
	_ =	strace $0x9FFFFFFF  }
0xc4: {  	(tm) =	ssettm $0x7FFFFFFF  }
0xc5: {  	_ =	shalt  }
tec
execute0_lowered:
.L_overlay_start_1:
0x0: {  	(tag) =	ssettag $0x1  }
0x1: {  	s3 =	rddreg [dreg:$0x0]  }
0x2: {  	s4 =	rddreg [dreg:$0x1]  }
0x3: {  	s5 =	rddreg [dreg:$0x2]  }
0x4: {  	s0 =	rddreg [dreg:$0x3];
	s6 =	srdreg.scid  }
0x5: {  	s2 =	simm.s32 $0x0;
	s1 =	stileid.u32;
	s9 =	simm.s32 $0x20000  }
0x6: {  	s10 =	simm.s32 $0x2000;
	s11 =	simm.s32 $0x0;
	s6 =	sand.u32 $0x1, s6  }
0x7: {  	s7 =	sshll.u32 s1, $0xA;
	[smem:$0x7FF] =	sst s2;
	s8 =	sshll.u32 s6, $0x9  }
0x8: {  	s6 =	ssub.s32 $0x2, s6;
	_ =	strace $0x80000047;
	s7 =	sor.u32 s8, s7  }
0x9: {  	s31 =	sshrl.u32 s6, $0x1;
	s8 =	simm.s32 $0x1000;
	s5 =	sadd.s32 s7, s5  }
0xa: {  	s6 =	ssub.s32 s6, s31;
	s3 =	sadd.s32 s3, s7;
	s4 =	sadd.s32 s4, s7  }
0xb: {  	v0 =	vimm.f32 $0.0e+00;
	s7 =	simm.s32 $0x1;
	s5 =	sadd.s32 $0x800, s5;
	s6 =	smax.u32 s6, $0x1  }
.LBB2_1:
0xc: {  	[tilespmem:s2], [sflag:$0x1] =	stream.linear.gather [hbm4b:s3+s2], $0x1000, $0x38;
	[tilespmem:$0x5000] =	vst v63  }
0xd: {  	_ =	swait.ge [sflag:s7], $0x1000  }
0xe: {  	[sflag:s7] =	ssyncset.done $0x0  }
0xf: {  	[sflag:s7] =	ssyncadd.s32 $0xFFFFF000  }
0x10: {  	[tilespmem:s8], [sflag:$0x1] =	stream.linear.gather [hbm4b:s4+s2], $0x1000, $0x38;
	[tilespmem:$0x5000] =	vst v63  }
0x11: {  	_ =	swait.ge [sflag:s7], $0x1000  }
0x12: {  	s12 =	sand.u32 $0x70, s2;
	s13 =	sand.u32 $0xC00, s2;
	[sflag:s7] =	ssyncset.done $0x0  }
0x13: {  	s12 =	sor.u32 s12, s13;
	[sflag:s7] =	ssyncadd.s32 $0xFFFFF000  }
0x14: {  	v2 =	vld [tilespmem:s12+$0x1100]  }
0x15: {  	v1 =	vld [tilespmem:s12+$0x1200]  }
0x16: {  	v7 =	vld [tilespmem:s12+$0x1080]  }
0x17: {  	v6 =	vld [tilespmem:s12+$0x1000]  }
0x18: {  	s13 =	sor.u32 s13, s2;
	v8 =	vld [tilespmem:s12+$0x80]  }
0x19: {  	s13 =	sor.u32 $0x180, s13;
	v9 =	vld [tilespmem:s12+$0x0]  }
0x1a: {  	v4 =	vld [tilespmem:s13+$0x1000]  }
0x1b: {  	v12 =	vld [tilespmem:s12+$0x100]  }
0x1c: {  	v10 =	vld [tilespmem:s13+$0x0]  }
0x1d: {  	v15 =	vld [tilespmem:s12+$0x200]  }
0x1e: {  	vm0 =	vge.f32 v2, v1;
	vm1 =	vge.f32 v7, v1;
	vm2 =	vgt.f32 v2, v7  }
0x1f: {  	vm4 =	vgt.f32 v1, v7;
	vm5 =	vge.f32 v9, v8;
	vm7 =	vgt.f32 v2, v6  }
0x20: {  	vm6 =	vgt.f32 v1, v2;
	vm3 =	vgt.f32 v4, v7;
	vm8 =	vgt.f32 v12, v8  }
0x21: {  	vm9 =	vge.f32 v8, v12;
	vm10 =	vge.f32 v12, v10;
	vm11 =	vgt.f32 v4, v6  }
0x22: {  	vm12 =	vgt.f32 v10, v8;
	vm13 =	vgt.f32 v8, v9;
	vm15 =	vge.f32 v12, v15  }
0x23: {  	vm14 =	vgt.f32 v1, v6;
	v5 =	vsel vm1, $0x3F800000, v0;
	v3 =	vsel vm0, $0x3F800000, v0  }
0x24: {  	vm0 =	vge.f32 v6, v7;
	v11 =	vsel vm2, $0x3F800000, v0;
	vm1 =	vge.f32 v6, v2  }
0x25: {  	vm2 =	vgt.f32 v7, v6;
	v16 =	vsel vm5, $0x3F800000, v0;
	v17 =	vsel vm4, $0x3F800000, v0  }
0x26: {  	vm5 =	vgt.f32 v12, v9;
	vm4 =	vgt.f32 v10, v12;
	v18 =	vsel vm6, $0x3F800000, v0  }
0x27: {  	v19 =	vsel vm8, $0x3F800000, v0;
	vm8 =	vge.f32 v9, v12;
	v20 =	vsel vm10, $0x3F800000, v0  }
0x28: {  	vm10 =	vge.f32 v9, v10;
	vm6 =	vgt.f32 v15, v8;
	v37 =	vsel vm11, $0x3F800000, v0  }
0x29: {  	vm11 =	vgt.f32 v15, v10;
	v21 =	vsel vm7, $0x3F800000, v0;
	vm7 =	vgt.f32 v15, v12  }
0x2a: {  	v39 =	vsel vm15, $0x3F800000, v0;
	v40 =	vsel vm14, $0x3F800000, v0;
	vm15 =	vge.f32 v8, v10  }
0x2b: {  	v23 =	vsel vm9, $0x3F800000, v0;
	vm9 =	vge.f32 v9, v15;
	v41 =	vsel vm13, $0x3F800000, v0  }
0x2c: {  	vm13 =	vge.f32 v10, v15;
	v44 =	vsel vm3, $0x3F800000, v0;
	v13 =	vsel vm0, $0x3F800000, v0  }
0x2d: {  	vm0 =	vge.f32 v7, v2;
	v14 =	vsel vm2, $0x3F800000, v0;
	vm2 =	vgt.f32 v10, v9  }
0x2e: {  	v16 =	vadd.f32 v19, v16;
	v22 =	vsel vm11, $0x3F800000, v0;
	v38 =	vsel vm10, $0x3F800000, v0  }
0x2f: {  	v24 =	vsel vm15, $0x3F800000, v0;
	vm10 =	vge.f32 v8, v15;
	vm11 =	vgt.f32 v15, v9  }
0x30: {  	v9 =	vsel vm9, $0x3F800000, v0;
	v42 =	vsel vm1, $0x3F800000, v0;
	v43 =	vsel vm5, $0x3F800000, v0  }
0x31: {  	v25 =	vsel vm8, $0x3F800000, v0;
	v47 =	vsel vm4, $0x3F800000, v0;
	v48 =	vsel vm6, $0x3F800000, v0  }
0x32: {  	v49 =	vsel vm7, $0x3F800000, v0;
	v50 =	vsel vm13, $0x3F800000, v0;
	v11 =	vadd.f32 v11, v13  }
0x33: {  	v14 =	vadd.f32 v21, v14;
	v10 =	vsel vm10, $0x3F800000, v0;
	v23 =	vadd.f32 v23, v25  }
0x34: {  	v36 =	vsel vm0, $0x3F800000, v0;
	v12 =	vadd.f32 v24, v38;
	v9 =	vadd.f32 v10, v9  }
0x35: {  	v10 =	vsel vm12, $0x3F800000, v0;
	v13 =	vadd.f32 v36, v42;
	v14 =	vadd.f32 v37, v14  }
0x36: {  	vm6 =	vgt.f32 v4, v2;
	v10 =	vadd.f32 v10, v16;
	v11 =	vadd.f32 v44, v11  }
0x37: {  	vm0 =	vge.f32 v2, v4;
	v16 =	vadd.f32 v47, v23;
	v12 =	vadd.f32 v12, v20  }
0x38: {  	v45 =	vsel vm11, $0x3F800000, v0;
	v9 =	vadd.f32 v9, v39;
	v8 =	vadd.f32 v40, v14  }
0x39: {  	v46 =	vsel vm2, $0x3F800000, v0;
	v14 =	vadd.f32 v43, v41;
	v10 =	vadd.f32 v48, v10  }
0x3a: {  	v58 =	vsel vm6, $0x3F800000, v0;
	v11 =	vadd.f32 v17, v11;
	v16 =	vadd.f32 v49, v16  }
0x3b: {  	v2 =	vadd.f32 v9, v50;
	v14 =	vadd.f32 v46, v14;
	vm3 =	vge.f32 v10, $5.000000000e-01  }
0x3c: {  	vm1 =	vlt.f32 v10, $5.000000000e-01;
	vm4 =	vlt.f32 v11, $5.000000000e-01;
	v53 =	vmul.f32 $1.000000010e-01, v16  }
0x3d: {  	v10 =	vmul.f32 $1.000000010e-01, v10;
	vm5 =	vge.f32 v16, $5.000000000e-01;
	v55 =	vmul.f32 $1.000000010e-01, v11  }
0x3e: {  	v56 =	vmul.f32 $1.000000010e-01, v8;
	v52 =	vsel vm1, $0x3F800000, v0;
	v9 =	vsel vm4, $0x3F800000, v0  }
0x3f: {  	vm4 =	vge.f32 v11, $5.000000000e-01;
	v11 =	vadd.f32 v58, v13;
	v14 =	vadd.f32 v45, v14  }
0x40: {  	vm1 =	vlt.f32 v16, $5.000000000e-01;
	v23 =	vsub.f32 $1.100000020e+00, v53;
	v10 =	vsub.f32 $1.100000020e+00, v10  }
0x41: {  	v57 =	vmul.f32 $1.000000010e-01, v2;
	v20 =	vsub.f32 $1.100000020e+00, v55;
	v21 =	vsub.f32 $1.100000020e+00, v56  }
0x42: {  	v61 =	vsel vm1, $0x3F800000, v0;
	vm1 =	vlt.f32 v2, $5.000000000e-01;
	v11 =	vadd.f32 v18, v11  }
0x43: {  	v51 =	vmul.f32 $1.000000010e-01, v14;
	vm2 =	vlt.f32 v14, $5.000000000e-01;
	v16 =	vnsel vm5, $0x0, v23  }
0x44: {  	v10 =	vnsel vm3, $0x0, v10;
	vm3 =	vlt.f32 v8, $5.000000000e-01;
	vm5 =	vge.f32 v8, $5.000000000e-01  }
0x45: {  	v20 =	vnsel vm4, $0x0, v20;
	v8 =	vsub.f32 $1.100000020e+00, v57;
	vm4 =	vge.f32 v7, v4  }
0x46: {  	[tilespmem:s12+$0x2300] =	vst v52;
	v54 =	vsel vm2, $0x3F800000, v0;
	vm2 =	vgt.f32 v1, v4;
	v59 =	vsel vm3, $0x3F800000, v0  }
0x47: {  	[tilespmem:s12+$0x4000] =	vst v9;
	v60 =	vnsel vm5, $0x0, v21;
	vm3 =	vge.f32 v6, v4;
	v7 =	vmul.f32 $1.000000010e-01, v11  }
0x48: {  	[tilespmem:s12+$0x2080] =	vst v10;
	v10 =	vsel vm4, $0x3F800000, v0;
	vm4 =	vge.f32 v6, v1;
	v6 =	vadd.f32 v12, v22  }
0x49: {  	[tilespmem:s12+$0x2100] =	vst v16;
	vm5 =	vge.f32 v11, $5.000000000e-01;
	vm6 =	vlt.f32 v11, $5.000000000e-01;
	v17 =	vsub.f32 $1.100000020e+00, v51  }
0x4a: {  	[tilespmem:s12+$0x3180] =	vst v20;
	v9 =	vsel vm3, $0x3F800000, v0;
	vm3 =	vge.f32 v14, $5.000000000e-01;
	v11 =	vsel vm4, $0x3F800000, v0  }
0x4b: {  	[tilespmem:s12+$0x2280] =	vst v54;
	v7 =	vsub.f32 $1.100000020e+00, v7;
	v63 =	vmul.f32 $1.000000010e-01, v6;
	v9 =	vadd.f32 v10, v9  }
0x4c: {  	[tilespmem:s12+$0x3100] =	vst v60;
	v5 =	vadd.f32 v5, v11;
	vm4 =	vlt.f32 v6, $5.000000000e-01;
	v62 =	vnsel vm3, $0x0, v17  }
0x4d: {  	s14 =	sor.u32 s2, s2;
	[tilespmem:s12+$0x3380] =	vst v59;
	vm3 =	vge.f32 v6, $5.000000000e-01;
	v6 =	vsel vm0, $0x3F800000, v0;
	vm0 =	vge.f32 v4, v1  }
0x4e: {  	s14 =	sor.u32 $0x380, s14;
	[tilespmem:s12+$0x2000] =	vst v62;
	v7 =	vnsel vm5, $0x0, v7;
	v4 =	vadd.f32 v9, v6;
	v3 =	vadd.f32 v5, v3  }
0x4f: {  	v5 =	vsub.f32 $1.100000020e+00, v63;
	v6 =	vsel vm2, $0x3F800000, v0;
	v9 =	vsel vm0, $0x3F800000, v0;
	[tilespmem:s14+$0x2000] =	vst v61  }
0x50: {  	s17 =	simm.s32 $0x10;
	v1 =	vsel vm6, $0x3F800000, v0;
	s14 =	simm.s32 $0x80;
	[tilespmem:s12+$0x3200] =	vst v7;
	v4 =	vadd.f32 v4, v6;
	v3 =	vadd.f32 v3, v9  }
.LBB2_2:
0x51: {  	s18 =	sand.u32 $0x70, s17  }
0x52: {  	s19 =	sand.u32 $0xC00, s14;
	s16 =	smov.u32 s17;
	s15 =	sadd.s32 $0x10, s17  }
0x53: {  	p0 =	sne.s32 s17, $0x1F0;
	v5 =	vnsel vm3, $0x0, v5;
	s18 =	sor.u32 s18, s19;
	s19 =	sor.u32 s19, s16;
	v6 =	vmul.f32 $1.000000010e-01, v4;
	vm0 =	vlt.f32 v4, $5.000000000e-01;
	[tilespmem:s12+$0x4080] =	vst v1  }
0x54: {  	v1 =	vsel vm4, $0x3F800000, v0;
	v10 =	vmul.f32 $1.000000010e-01, v3;
	v7 =	vsel vm0, $0x3F800000, v0;
	[tilespmem:s13+$0x2000] =	vst v5;
	s13 =	sor.u32 $0x180, s19  }
0x55: {  	vm0 =	vlt.f32 v3, $5.000000000e-01;
	v9 =	vld [tilespmem:s18+$0x1100];
	v6 =	vsub.f32 $1.100000020e+00, v6;
	[tilespmem:s12+$0x3000] =	vst v1  }
0x56: {  	v11 =	vsel vm1, $0x3F800000, v0;
	vm1 =	vge.f32 v4, $5.000000000e-01;
	v4 =	vsub.f32 $1.100000020e+00, v10;
	v1 =	vld [tilespmem:s18+$0x1200];
	[tilespmem:s12+$0x4100] =	vst v7  }
0x57: {  	v5 =	vld [tilespmem:s18+$0x1080];
	v6 =	vnsel vm1, $0x0, v6;
	vm1 =	vge.f32 v3, $5.000000000e-01;
	[tilespmem:s12+$0x3080] =	vst v11  }
0x58: {  	v11 =	vld [tilespmem:s18+$0x80];
	v3 =	vnsel vm1, $0x0, v4;
	v4 =	vsel vm0, $0x3F800000, v0;
	[tilespmem:s12+$0x3280] =	vst v6  }
0x59: {  	vm0 =	vge.f32 v2, $5.000000000e-01;
	v7 =	vld [tilespmem:s18+$0x1000];
	[tilespmem:s12+$0x3300] =	vst v3  }
0x5a: {  	v2 =	vnsel vm0, $0x0, v8;
	[tilespmem:s12+$0x4180] =	vst v4  }
0x5b: {  	v12 =	vld [tilespmem:s18+$0x0];
	vm0 =	vge.f32 v9, v1;
	[tilespmem:s12+$0x2200] =	vst v2;
	s12 =	smov.u32 s18  }
0x5c: {  	vm1 =	vge.f32 v5, v1  }
0x5d: {  	vm2 =	vgt.f32 v9, v5;
	v3 =	vsel vm0, $0x3F800000, v0;
	v4 =	vld [tilespmem:s13+$0x1000];
	v6 =	vsel vm1, $0x3F800000, v0  }
0x5e: {  	v8 =	vsel vm2, $0x3F800000, v0;
	v2 =	vld [tilespmem:s13+$0x0];
	vm0 =	vge.f32 v7, v5;
	vm1 =	vge.f32 v7, v9  }
0x5f: {  	vm3 =	vgt.f32 v1, v5;
	vm2 =	vgt.f32 v5, v7;
	v13 =	vld [tilespmem:s12+$0x100];
	v10 =	vsel vm0, $0x3F800000, v0  }
0x60: {  	vm0 =	vge.f32 v5, v9;
	vm5 =	vge.f32 v12, v11;
	v14 =	vadd.f32 v8, v10  }
0x61: {  	vm6 =	vgt.f32 v1, v9;
	vm7 =	vgt.f32 v9, v7;
	v8 =	vsel vm0, $0x3F800000, v0  }
0x62: {  	v15 =	vsel vm2, $0x3F800000, v0;
	vm4 =	vgt.f32 v4, v5;
	vm0 =	vge.f32 v9, v4  }
0x63: {  	v18 =	vsel vm3, $0x3F800000, v0;
	v17 =	vsel vm5, $0x3F800000, v0;
	v16 =	vld [tilespmem:s12+$0x200];
	vm2 =	vgt.f32 v2, v12  }
0x64: {  	vm5 =	vgt.f32 v13, v12;
	vm8 =	vgt.f32 v13, v11;
	vm3 =	vgt.f32 v2, v13  }
0x65: {  	v10 =	vsel vm6, $0x3F800000, v0;
	vm10 =	vge.f32 v11, v13;
	vm9 =	vge.f32 v13, v2  }
0x66: {  	v19 =	vsel vm8, $0x3F800000, v0;
	vm8 =	vge.f32 v12, v13;
	v20 =	vsel vm9, $0x3F800000, v0  }
0x67: {  	vm12 =	vgt.f32 v4, v7;
	vm11 =	vge.f32 v12, v2;
	v17 =	vadd.f32 v19, v17  }
0x68: {  	vm9 =	vgt.f32 v2, v11;
	v19 =	vsel vm12, $0x3F800000, v0;
	vm6 =	vgt.f32 v16, v11  }
0x69: {  	v21 =	vsel vm7, $0x3F800000, v0;
	vm12 =	vgt.f32 v11, v12;
	vm13 =	vgt.f32 v16, v2  }
0x6a: {  	v15 =	vadd.f32 v21, v15;
	v22 =	vsel vm13, $0x3F800000, v0;
	vm13 =	vge.f32 v13, v16  }
0x6b: {  	vm7 =	vgt.f32 v16, v13;
	v13 =	vsel vm11, $0x3F800000, v0;
	vm11 =	vgt.f32 v1, v7  }
0x6c: {  	v15 =	vadd.f32 v19, v15;
	v21 =	vsel vm13, $0x3F800000, v0;
	v19 =	vsel vm11, $0x3F800000, v0  }
0x6d: {  	v23 =	vsel vm10, $0x3F800000, v0;
	vm10 =	vge.f32 v11, v2;
	vm11 =	vge.f32 v12, v16  }
0x6e: {  	v24 =	vsel vm10, $0x3F800000, v0;
	vm10 =	vge.f32 v11, v16;
	v11 =	vadd.f32 v19, v15  }
0x6f: {  	vm13 =	vge.f32 v2, v16;
	v15 =	vsel vm12, $0x3F800000, v0;
	vm12 =	vgt.f32 v16, v12  }
0x70: {  	v2 =	vsel vm11, $0x3F800000, v0;
	v12 =	vsel vm10, $0x3F800000, v0;
	v16 =	vsel vm1, $0x3F800000, v0  }
0x71: {  	v25 =	vsel vm8, $0x3F800000, v0;
	v19 =	vsel vm5, $0x3F800000, v0;
	v2 =	vadd.f32 v12, v2  }
0x72: {  	v23 =	vadd.f32 v23, v25;
	v25 =	vsel vm4, $0x3F800000, v0;
	v12 =	vsel vm9, $0x3F800000, v0  }
0x73: {  	v15 =	vadd.f32 v19, v15;
	v19 =	vsel vm12, $0x3F800000, v0;
	v2 =	vadd.f32 v2, v21  }
0x74: {  	v12 =	vadd.f32 v12, v17;
	v17 =	vsel vm6, $0x3F800000, v0;
	v21 =	vsel vm2, $0x3F800000, v0  }
0x75: {  	v14 =	vadd.f32 v25, v14;
	v15 =	vadd.f32 v21, v15;
	v21 =	vsel vm3, $0x3F800000, v0  }
0x76: {  	v12 =	vadd.f32 v17, v12;
	v17 =	vadd.f32 v21, v23;
	v21 =	vsel vm13, $0x3F800000, v0  }
0x77: {  	v14 =	vadd.f32 v18, v14;
	v15 =	vadd.f32 v19, v15;
	v19 =	vsel vm7, $0x3F800000, v0  }
0x78: {  	vm3 =	vge.f32 v12, $5.000000000e-01;
	vm1 =	vlt.f32 v12, $5.000000000e-01;
	v17 =	vadd.f32 v19, v17  }
0x79: {  	vm4 =	vlt.f32 v14, $5.000000000e-01;
	v19 =	vsel vm1, $0x3F800000, v0;
	v18 =	vmul.f32 $1.000000010e-01, v15  }
0x7a: {  	v13 =	vadd.f32 v24, v13;
	v23 =	vmul.f32 $1.000000010e-01, v17;
	vm1 =	vlt.f32 v17, $5.000000000e-01;
	[tilespmem:s12+$0x2300] =	vst v19  }
0x7b: {  	v12 =	vmul.f32 $1.000000010e-01, v12;
	vm2 =	vlt.f32 v15, $5.000000000e-01;
	v18 =	vsub.f32 $1.100000020e+00, v18  }
0x7c: {  	vm5 =	vgt.f32 v4, v9;
	v23 =	vsub.f32 $1.100000020e+00, v23;
	v19 =	vsel vm2, $0x3F800000, v0  }
0x7d: {  	v9 =	vsub.f32 $1.100000020e+00, v12;
	vm6 =	vge.f32 v17, $5.000000000e-01;
	vm2 =	vgt.f32 v1, v4;
	[tilespmem:s12+$0x2280] =	vst v19  }
0x7e: {  	v2 =	vadd.f32 v2, v21;
	v17 =	vsel vm4, $0x3F800000, v0;
	v12 =	vnsel vm6, $0x0, v23  }
0x7f: {  	v13 =	vadd.f32 v13, v20;
	v9 =	vnsel vm3, $0x0, v9;
	v19 =	vmul.f32 $1.000000010e-01, v14;
	[tilespmem:s12+$0x4000] =	vst v17  }
0x80: {  	v8 =	vadd.f32 v8, v16;
	vm3 =	vlt.f32 v11, $5.000000000e-01;
	v17 =	vmul.f32 $1.000000010e-01, v11;
	[tilespmem:s12+$0x2080] =	vst v9  }
0x81: {  	v16 =	vsub.f32 $1.100000020e+00, v19;
	v19 =	vsel vm5, $0x3F800000, v0;
	v9 =	vmul.f32 $1.000000010e-01, v2;
	[tilespmem:s12+$0x2100] =	vst v12  }
0x82: {  	vm4 =	vge.f32 v14, $5.000000000e-01;
	v14 =	vadd.f32 v19, v8;
	v12 =	vsub.f32 $1.100000020e+00, v17  }
0x83: {  	vm5 =	vge.f32 v11, $5.000000000e-01;
	v11 =	vsel vm3, $0x3F800000, v0;
	v16 =	vnsel vm4, $0x0, v16  }
0x84: {  	v8 =	vsub.f32 $1.100000020e+00, v9;
	v10 =	vadd.f32 v10, v14;
	v9 =	vnsel vm5, $0x0, v12;
	[tilespmem:s12+$0x3180] =	vst v16  }
0x85: {  	vm3 =	vge.f32 v7, v4;
	vm4 =	vge.f32 v5, v4;
	v12 =	vsel vm1, $0x3F800000, v0;
	[tilespmem:s12+$0x3100] =	vst v9  }
0x86: {  	vm1 =	vlt.f32 v2, $5.000000000e-01;
	v5 =	vmul.f32 $1.000000010e-01, v10;
	v9 =	vsel vm3, $0x3F800000, v0  }
0x87: {  	v14 =	vsel vm4, $0x3F800000, v0;
	vm4 =	vge.f32 v7, v1;
	vm3 =	vge.f32 v15, $5.000000000e-01  }
0x88: {  	v13 =	vadd.f32 v13, v22;
	v7 =	vnsel vm3, $0x0, v18;
	v5 =	vsub.f32 $1.100000020e+00, v5  }
0x89: {  	vm5 =	vge.f32 v10, $5.000000000e-01;
	vm6 =	vlt.f32 v10, $5.000000000e-01;
	v10 =	vsel vm4, $0x3F800000, v0;
	[tilespmem:s12+$0x2000] =	vst v7  }
0x8a: {  	vm3 =	vge.f32 v13, $5.000000000e-01;
	v15 =	vnsel vm5, $0x0, v5;
	v7 =	vmul.f32 $1.000000010e-01, v13  }
.Ltmp0:
0x8b: {  	s16 =	sor.u32 s14, s16;
	vm4 =	vlt.f32 v13, $5.000000000e-01;
	v6 =	vadd.f32 v6, v10;
	v9 =	vadd.f32 v14, v9;
	(pc) =	sbr.rel @p0 .LBB2_2-.Ltmp0, $4  }
0x8c: {  	s16 =	sor.u32 $0x380, s16;
	v5 =	vsub.f32 $1.100000020e+00, v7;
	v7 =	vsel vm0, $0x3F800000, v0;
	vm0 =	vge.f32 v4, v1;
	[tilespmem:s12+$0x3380] =	vst v11  }
0x8d: {  	v3 =	vadd.f32 v6, v3;
	v4 =	vadd.f32 v9, v7;
	[tilespmem:s16+$0x2000] =	vst v12  }
0x8e: {  	v6 =	vsel vm2, $0x3F800000, v0;
	v7 =	vsel vm0, $0x3F800000, v0;
	[tilespmem:s12+$0x3200] =	vst v15  }
0x8f: {  	s14 =	sadd.s32 $0x80, s14;
	s17 =	smov.u32 s15;
	v1 =	vsel vm6, $0x3F800000, v0;
	v3 =	vadd.f32 v3, v7;
	v4 =	vadd.f32 v4, v6  }
0x90: {  	v5 =	vnsel vm3, $0x0, v5;
	[tilespmem:s12+$0x4080] =	vst v1  }
0x91: {  	v1 =	vsel vm4, $0x3F800000, v0;
	v6 =	vmul.f32 $1.000000010e-01, v4;
	vm0 =	vlt.f32 v4, $5.000000000e-01;
	[tilespmem:s13+$0x2000] =	vst v5  }
0x92: {  	v7 =	vmul.f32 $1.000000010e-01, v3;
	vm12 =	vge.f32 v4, $5.000000000e-01;
	v61 =	vsel vm0, $0x3F800000, v0;
	[tilespmem:s12+$0x3000] =	vst v1  }
0x93: {  	vm14 =	vlt.f32 v3, $5.000000000e-01;
	v1 =	vsel vm1, $0x3F800000, v0;
	v6 =	vsub.f32 $1.100000020e+00, v6;
	[tilespmem:s12+$0x4100] =	vst v61  }
0x94: {  	vm13 =	vge.f32 v3, $5.000000000e-01;
	v3 =	vsel vm14, $0x3F800000, v0;
	v62 =	vsub.f32 $1.100000020e+00, v7;
	[tilespmem:s12+$0x3080] =	vst v1  }
0x95: {  	[tilespmem:s12+$0x4180] =	vst v3;
	v63 =	vnsel vm12, $0x0, v6  }
0x96: {  	vm15 =	vge.f32 v2, $5.000000000e-01;
	s11 =	sadd.s32 $0x1, s11;
	v1 =	vnsel vm13, $0x0, v62;
	[tilespmem:s12+$0x3280] =	vst v63  }
0x97: {  	p0 =	sne.s32 s11, s6;
	[tilespmem:s12+$0x3300] =	vst v1;
	v1 =	vnsel vm15, $0x0, v8  }
.Ltmp1:
0x98: {  	[tilespmem:s12+$0x2200] =	vst v1;
	(pc) =	sbr.rel @p0 .LBB2_1-.Ltmp1, $4  }
0x99: {  	[hbm4b:s5+s8] =	stream.strided.scatter [tilespmem:s10], [sflag:$0x1], $0x3000, s9, s8, $0x38;
	[tilespmem:$0x5000] =	vst v63  }
0x9a: {  	_ =	swait.ge [sflag:s7], $0x3000  }
0x9b: {  	[sflag:s7] =	ssyncset.done $0x0  }
0x9c: {  	[sflag:s7] =	ssyncadd.s32 $0xFFFFD000  }
0x9d: {  	_ =	sfence.sel $0x180000  }
0x9e: {  	[bflag:$0x0] =	sbarrier.arrive $0xFFFF  }
0x9f: {  	p0 =	sne.s32 s1, $0x0;
	_ =	strace $0x90000047  }
0xa0: {  	s0 =	sadd.s32 @!p0 $0x100000, s0;
	[bflag:$0x2] =	sbarrier.arrive $0xFFFF  }
0xa1: {  	[sflag:s0] =	ssyncadd.tile.s32 @!p0 $0x1;
	_ =	shalt  }
.Lfunc_end2:
_tile_overlayer_lowered:
.L_overlay_start_2:
0xa2: {  	(tag) =	ssettag $0x2  }
0xa3: {  	s0 =	rddreg [dreg:$0x0];
	s2 =	stileid.u32  }
0xa4: {  	s1 =	rddreg [dreg:$0x1];
	p0 =	sne.s32 s2, $0x0  }
0xa5: {  	s3 =	rddreg [dreg:$0x2];
	[bflag:$0x3] =	sbarrier.arrive $0xFFFF;
	s2 =	simm.s32 @!p0 $0x1C01  }
0xa6: {  	[timem:s3], [sflag:s2] =	dma.local @!p0 [hbm:s0], s1  }
0xa7: {  	s0 =	simm.s32 @!p0 $0x1  }
0xa8: {  	_ =	swait.ge @!p0 [sflag:s0], s1  }
0xa9: {  	s1 =	ssub.s32 @!p0 $0x0, s1;
	[sflag:s0] =	ssyncset.done @!p0 $0x0  }
0xaa: {  	[sflag:s0] =	ssyncadd.s32 @!p0 s1  }
0xab: {  	[bflag:$0x3] =	sbarrier.arrive $0xFFFF  }
0xac: {  	_ =	shalt  }

</sc_bundles>
